<compile_context>
chip_gen: v7x
topology: tpu7x:2x2x1
jax: 0.10.2.dev20260603
libtpu: 0.0.44.dev20260713+nightly
codegen_flags: <defaults>
</compile_context>

<pallas_src>
import jax
import jax.numpy as jnp
from jax import lax
from jax.experimental import pallas as pl
from jax.experimental.pallas import tpu as pltpu
from jax.experimental.pallas import tpu_sc as plsc

_TOPK = 64
_N = 2048
_F = 2048
_NC, _NS, _L = 2, 16, 16
_NW = _NC * _NS
_RPW = _N // _NW
_NB = _RPW // _L
_NBINS = 256
_HSTRIDE = _NBINS + 1
_CSTRIDE = _F + 9
_MANT_HI = 0x800000
_ABS_MASK = 0x7FFFFFFF


def _sc_body(y_hbm, thr_hbm, in_v, cand_v, cand2_v, hist_v, thr_v, sem):
    del sem
    wid = lax.axis_index("s") * _NC + lax.axis_index("c")
    lanes = lax.iota(jnp.int32, 16)
    ones = jnp.ones((_L,), jnp.int32)
    zeros16 = jnp.zeros((_L,), jnp.int32)
    lhist = lanes * _HSTRIDE
    lcand = lanes * _CSTRIDE
    lh16 = lanes * 17
    row0 = wid * _RPW

    @plsc.parallel_loop(0, _L * _HSTRIDE // _L + 1, unroll=4)
    def _(b):
        hist_v[pl.ds(b * _L, _L)] = zeros16

    def do_batch(bi, _):
        pltpu.sync_copy(y_hbm.at[pl.ds(row0 + bi * _L, _L)], in_v)

        @plsc.parallel_loop(0, _F, unroll=8)
        def _(j):
            jr = (j + lanes) & (_F - 1)
            col = plsc.load_gather(in_v, [lanes, jr])
            bits = plsc.bitcast(col, jnp.int32) & _ABS_MASK
            plsc.addupdate_scatter(hist_v, [lhist + (bits >> 23)], ones)

        def scan_bin(k, carry):
            cum, estar, mneed = carry
            b = (_NBINS - 1) - k
            idx = lhist + b
            h = plsc.load_gather(hist_v, [idx])
            plsc.store_scatter(hist_v, [idx], zeros16)
            newcum = cum + h
            hit = (cum < _TOPK) & (newcum >= _TOPK)
            estar = jnp.where(hit, b, estar)
            mneed = jnp.where(hit, _TOPK - cum, mneed)
            return newcum, estar, mneed
        _cum, estar, mneed = lax.fori_loop(
            0, _NBINS, scan_bin, (zeros16, zeros16, ones), unroll=4)

        @plsc.parallel_loop(0, _F, unroll=8, carry=zeros16)
        def nbe(j, off):
            jr = (j + lanes) & (_F - 1)
            col = plsc.load_gather(in_v, [lanes, jr])
            bits = plsc.bitcast(col, jnp.int32) & _ABS_MASK
            msk = (bits >> 23) == estar
            plsc.store_scatter(cand_v, [lcand + off], bits & (_MANT_HI - 1),
                               mask=msk)
            return off + jnp.where(msk, 1, 0)
        maxn = jnp.max(nbe)

        def refine(shift, src, nsrc, maxnsrc, need, dst):
            @plsc.parallel_loop(0, maxnsrc)
            def _(i):
                c = plsc.load_gather(src, [lcand + i])
                d = (c >> shift) & 15
                plsc.addupdate_scatter(hist_v, [lh16 + d],
                                       jnp.where(i < nsrc, 1, 0))

            def scan16(k, carry):
                cum, dstar, mrem = carry
                b = 15 - k
                idx = lh16 + b
                h = plsc.load_gather(hist_v, [idx])
                plsc.store_scatter(hist_v, [idx], zeros16)
                newcum = cum + h
                hit = (cum < need) & (newcum >= need)
                dstar = jnp.where(hit, b, dstar)
                mrem = jnp.where(hit, need - cum, mrem)
                return newcum, dstar, mrem
            _c, dstar, mrem = lax.fori_loop(
                0, 16, scan16, (zeros16, zeros16, ones))

            @plsc.parallel_loop(0, maxnsrc, carry=zeros16)
            def ndst(i, off):
                c = plsc.load_gather(src, [lcand + i])
                msk = (((c >> shift) & 15) == dstar) & (i < nsrc)
                plsc.store_scatter(dst, [lcand + off], c, mask=msk)
                return off + jnp.where(msk, 1, 0)
            return dstar, mrem, ndst, jnp.max(ndst)

        d1, m1, n2, maxn2 = refine(19, cand_v, nbe, maxn, mneed, cand2_v)
        d2, m2, n3, maxn3 = refine(15, cand2_v, n2, maxn2, m1, cand_v)

        prefix = (d1 << 19) + (d2 << 15)

        def bis(_, carry):
            lo, hi = carry
            mid = lo + ((hi - lo) >> 1)

            @plsc.parallel_loop(0, maxn3, carry=zeros16)
            def cnt(i, acc):
                c = plsc.load_gather(cand_v, [lcand + i])
                good = (i < n3) & (c >= mid)
                return acc + jnp.where(good, 1, 0)
            ge = cnt >= m2
            return jnp.where(ge, mid, lo), jnp.where(ge, hi, mid)
        lo, _hi = lax.fori_loop(0, 15, bis, (prefix, prefix + (1 << 15)))
        thr_v[pl.ds(bi * _L, _L)] = (estar << 23) + lo
        return 0

    lax.fori_loop(0, _NB, do_batch, 0)
    pltpu.sync_copy(thr_v, thr_hbm.at[pl.ds(row0, _RPW)])


def _sc_thresholds(y):
    mesh = plsc.VectorSubcoreMesh(core_axis_name="c", subcore_axis_name="s")
    return pl.kernel(
        _sc_body,
        out_type=jax.ShapeDtypeStruct((_N,), jnp.int32),
        mesh=mesh,
        compiler_params=pltpu.CompilerParams(needs_layout_passes=False),
        scratch_types=[
            pltpu.VMEM((_L, _F), jnp.float32),
            pltpu.VMEM((_L * _CSTRIDE,), jnp.int32),
            pltpu.VMEM((_L * _CSTRIDE,), jnp.int32),
            pltpu.VMEM((_L * _HSTRIDE + _L,), jnp.int32),
            pltpu.VMEM((_RPW,), jnp.int32),
            pltpu.SemaphoreType.DMA,
        ],
    )(y)


def _mm_body(x_ref, w_ref, b_ref, o_ref):
    o_ref[...] = jax.lax.dot_general(
        x_ref[...], w_ref[...],
        dimension_numbers=(((1,), (1,)), ((), ())),
        preferred_element_type=jnp.float32,
    ) + b_ref[...]


def _matmul(x, weight, bias):
    n, fin = x.shape
    fout = weight.shape[0]
    br = 512
    return pl.pallas_call(
        _mm_body,
        grid=(n // br,),
        in_specs=[
            pl.BlockSpec((br, fin), lambda i: (i, 0)),
            pl.BlockSpec((fout, fin), lambda i: (0, 0)),
            pl.BlockSpec((1, fout), lambda i: (0, 0)),
        ],
        out_specs=pl.BlockSpec((br, fout), lambda i: (i, 0)),
        out_shape=jax.ShapeDtypeStruct((n, fout), jnp.float32),
    )(x, weight, bias.reshape(1, fout))


def _mask_body(y_ref, t_ref, o_ref):
    y = y_ref[...]
    bits = jax.lax.bitcast_convert_type(jnp.abs(y), jnp.int32)
    o_ref[...] = jnp.where(bits >= t_ref[...], y, 0.0)


def _mask(y, thr):
    br = 512
    return pl.pallas_call(
        _mask_body,
        grid=(_N // br,),
        in_specs=[
            pl.BlockSpec((br, _F), lambda i: (i, 0)),
            pl.BlockSpec((br, 1), lambda i: (i, 0)),
        ],
        out_specs=pl.BlockSpec((br, _F), lambda i: (i, 0)),
        out_shape=jax.ShapeDtypeStruct((_N, _F), jnp.float32),
    )(y, thr.reshape(_N, 1))


def kernel(x, weight, bias):
    y = _matmul(x, weight, bias)
    thr = _sc_thresholds(y)
    return _mask(y, thr)

# --- scband reference (transcript-rebuilt; emitter-appended) ---
"""Pipeline reference for scband-approximate-linear-52106543235770 (READ-ONLY COPY).

The authoritative reference and input builder live on the scoring server;
editing this copy changes nothing except your own understanding.
"""

import jax, jax.numpy as jnp
import numpy as np

IN_FEATURES = 2048
OUT_FEATURES = 2048
N_TOKENS = 2048
TOP_K = 64  # config.expected_keys_per_query


def setup_inputs(seed: int = 0) -> dict:
    key = jax.random.key(seed)
    k1, k2, k3 = jax.random.split(key, 3)
    x = jax.random.normal(k1, (N_TOKENS, IN_FEATURES), dtype=jnp.float32)
    # learned parameters per init_kwargs (weight: [out_features, in_features])
    weight = jax.random.normal(k2, (OUT_FEATURES, IN_FEATURES), dtype=jnp.float32) * 0.02
    bias = jax.random.normal(k3, (OUT_FEATURES,), dtype=jnp.float32) * 0.02
    return {"x": x, "weight": weight, "bias": bias}


def reference(x, weight, bias):
    # Exact linear projection: queries scored against all key rows of the weight matrix
    y_exact = x @ weight.T + bias  # [N, out_features]
    # Approximate retrieval path: keep only the top-k highest-|score| keys per query
    # (emulates range/knn search over the key index; maps to lax.top_k on SparseCore)
    n = x.shape[0]
    _, idx = jax.lax.top_k(jnp.abs(y_exact), TOP_K)  # [N, TOP_K]
    gathered = jnp.take_along_axis(y_exact, idx, axis=1)  # [N, TOP_K]
    row_idx = jnp.arange(n, dtype=jnp.int32)[:, None]
    y_approx = jnp.zeros_like(y_exact).at[row_idx, idx].set(gathered)
    # Straight-through estimator: forward emits the approximate (sparse) output,
    # backward gradients flow through the exact dense linear path.
    y = y_exact + jax.lax.stop_gradient(y_approx - y_exact)
    return y

if __name__ == "__main__":
    import jax
    _d = setup_inputs()
    print(jax.jit(kernel)(*tuple(_d.values())))

</pallas_src>

<mosaic_0001>
#map = affine_map<(d0, d1) -> (0, 0)>
#map1 = affine_map<(d0, d1) -> (0)>
module attributes {stable_mosaic.version = 14 : i64} {
  func.func @_sc_body(%arg0: i32, %arg1: i32, %arg2: memref<2048x2048xf32, #tpu.memory_space<hbm>>, %arg3: memref<2048xi32, #tpu.memory_space<hbm>>, %arg4: memref<16x2048xf32, #tpu.memory_space<vmem>>, %arg5: memref<32912xi32, #tpu.memory_space<vmem>>, %arg6: memref<32912xi32, #tpu.memory_space<vmem>>, %arg7: memref<4128xi32, #tpu.memory_space<vmem>>, %arg8: memref<64xi32, #tpu.memory_space<vmem>>, %arg9: memref<!tpu.dma_semaphore, #tpu.memory_space<semaphore_mem>>) attributes {dimension_semantics = [#tpu.dimension_semantics<core_parallel>, #tpu.dimension_semantics<subcore_parallel>], iteration_bounds = array<i64: 2, 16>, scalar_prefetch = 0 : i64, scratch_operands = 6 : i64, tpu.core_type = #tpu.core_type<sc_vector_subcore>, window_params = [{transform_indices = #map}, {transform_indices = #map1}]} {
    %mul3A = arith.constant 2 : i32
    %mul3A_0 = arith.muli %arg1, %mul3A : i32
    %add3A = arith.addi %mul3A_0, %arg0 : i32
    %iota3A = tpu.iota {dimensions = array<i32: 0>} : vector<16xi32>
    %broadcast_in_dim3A = arith.constant 1 : i32
    %broadcast_in_dim3A_1 = vector.broadcast %broadcast_in_dim3A : i32 to vector<16xi32>
    %broadcast_in_dim3A_2 = arith.constant 0 : i32
    %broadcast_in_dim3A_3 = vector.broadcast %broadcast_in_dim3A_2 : i32 to vector<16xi32>
    %mul3A_4 = arith.constant 257 : i32
    %mul3A_5 = vector.broadcast %mul3A_4 : i32 to vector<16xi32>
    %mul3A_6 = arith.muli %iota3A, %mul3A_5 : vector<16xi32>
    %mul3A_7 = arith.constant 2057 : i32
    %mul3A_8 = vector.broadcast %mul3A_7 : i32 to vector<16xi32>
    %mul3A_9 = arith.muli %iota3A, %mul3A_8 : vector<16xi32>
    %mul3A_10 = arith.constant 17 : i32
    %mul3A_11 = vector.broadcast %mul3A_10 : i32 to vector<16xi32>
    %mul3A_12 = arith.muli %iota3A, %mul3A_11 : vector<16xi32>
    %mul3A_13 = arith.constant 64 : i32
    %mul3A_14 = arith.muli %add3A, %mul3A_13 : i32
    %parallel_loop3A = arith.constant 0 : i32
    %parallel_loop3A_15 = arith.constant 258 : i32
    %parallel_loop3A_16 = arith.constant 1 : i32
    scf.for %parallel_loop3A_23 = %parallel_loop3A to %parallel_loop3A_15 step %parallel_loop3A_16  : i32 {
      %parallel_loop3A_24 = arith.constant 16 : i32
      %parallel_loop3A_25 = arith.muli %parallel_loop3A_23, %parallel_loop3A_24 : i32
      %parallel_loop3A_26 = arith.index_cast %parallel_loop3A_25 : i32 to index
      %parallel_loop3A_27 = tpu.vector_load %arg7[%parallel_loop3A_26] {strides = array<i32>} : memref<4128xi32, #tpu.memory_space<vmem>>, vector<16xi32>,
      tpu.vector_store %arg7[%parallel_loop3A_26], %broadcast_in_dim3A_3 {strides = array<i32>} : memref<4128xi32, #tpu.memory_space<vmem>>, vector<16xi32>,
    } {sc.loop_unroll_factor = 4 : i64, sc.parallel_access}
    %scan3A = arith.constant 0 : i32
    %scan3A_17 = arith.constant 0 : i32
    %scan3A_18 = arith.constant 4 : i32
    %scan3A_19 = arith.addi %scan3A_17, %scan3A_18 : i32
    %scan3A_20 = arith.constant 1 : i32
    %scan3A_21 = scf.for %scan3A_23 = %scan3A_17 to %scan3A_19 step %scan3A_20 iter_args(%scan3A_24 = %scan3A) -> (i32)  : i32 {
      %mul3A_25 = arith.constant 16 : i32
      %mul3A_26 = arith.muli %scan3A_23, %mul3A_25 : i32
      %add3A_27 = arith.addi %mul3A_14, %mul3A_26 : i32
      "tpu.region"() ({
        %run_scoped3A = tpu.sem_alloc : memref<!tpu.dma_semaphore, #tpu.memory_space<semaphore_mem>>
        %dma_start3A = arith.constant 0 : i32
        %dma_start3A_109 = tpu.memref_slice %arg2[%add3A_27, %dma_start3A] : memref<2048x2048xf32, #tpu.memory_space<hbm>> -> memref<16x2048xf32, #tpu.memory_space<hbm>>
        %dma_start3A_110 = arith.constant 0 : i32
        %dma_start3A_111 = tpu.memref_slice %arg2[%add3A_27, %dma_start3A_110] : memref<2048x2048xf32, #tpu.memory_space<hbm>> -> memref<16x2048xf32, #tpu.memory_space<hbm>>
        tpu.enqueue_dma source(%dma_start3A_111 : memref<16x2048xf32, #tpu.memory_space<hbm>>) target(%arg4 : memref<16x2048xf32, #tpu.memory_space<vmem>>) target_semaphore(%run_scoped3A : memref<!tpu.dma_semaphore, #tpu.memory_space<semaphore_mem>>)
        %dma_wait3A = arith.constant 0 : i32
        %dma_wait3A_112 = tpu.memref_slice %arg2[%add3A_27, %dma_wait3A] : memref<2048x2048xf32, #tpu.memory_space<hbm>> -> memref<16x2048xf32, #tpu.memory_space<hbm>>
        %dma_wait3A_113 = arith.constant 0 : i32
        %dma_wait3A_114 = tpu.memref_slice %arg2[%add3A_27, %dma_wait3A_113] : memref<2048x2048xf32, #tpu.memory_space<hbm>> -> memref<16x2048xf32, #tpu.memory_space<hbm>>
        tpu.wait_dma2 semaphore(%run_scoped3A : memref<!tpu.dma_semaphore, #tpu.memory_space<semaphore_mem>>) src(%dma_wait3A_114 : memref<16x2048xf32, #tpu.memory_space<hbm>>) dst(%arg4 : memref<16x2048xf32, #tpu.memory_space<vmem>>)
        tpu.yield
      }) : () -> ()
      %parallel_loop3A_28 = arith.constant 0 : i32
      %parallel_loop3A_29 = arith.constant 2048 : i32
      %parallel_loop3A_30 = arith.constant 1 : i32
      scf.for %parallel_loop3A_109 = %parallel_loop3A_28 to %parallel_loop3A_29 step %parallel_loop3A_30  : i32 {
        %parallel_loop3A_110 = vector.broadcast %parallel_loop3A_109 : i32 to vector<16xi32>
        %parallel_loop3A_111 = arith.addi %parallel_loop3A_110, %iota3A : vector<16xi32>
        %parallel_loop3A_112 = arith.constant 2047 : i32
        %parallel_loop3A_113 = vector.broadcast %parallel_loop3A_112 : i32 to vector<16xi32>
        %parallel_loop3A_114 = arith.andi %parallel_loop3A_111, %parallel_loop3A_113 : vector<16xi32>
        %parallel_loop3A_115 = tpu.vector_load_idx %arg4[%iota3A, %parallel_loop3A_114] : memref<16x2048xf32, #tpu.memory_space<vmem>>[vector<16xi32>, vector<16xi32>], vector<16xf32>,
        %parallel_loop3A_116 = vector.bitcast %parallel_loop3A_115 : vector<16xf32> to vector<16xi32>
        %parallel_loop3A_117 = arith.constant 2147483647 : i32
        %parallel_loop3A_118 = vector.broadcast %parallel_loop3A_117 : i32 to vector<16xi32>
        %parallel_loop3A_119 = arith.andi %parallel_loop3A_116, %parallel_loop3A_118 : vector<16xi32>
        %parallel_loop3A_120 = arith.constant 23 : i32
        %parallel_loop3A_121 = vector.broadcast %parallel_loop3A_120 : i32 to vector<16xi32>
        %parallel_loop3A_122 = arith.shrsi %parallel_loop3A_119, %parallel_loop3A_121 : vector<16xi32>
        %parallel_loop3A_123 = arith.addi %mul3A_6, %parallel_loop3A_122 : vector<16xi32>
        tpu.vector_store_idx %arg7[%parallel_loop3A_123], %broadcast_in_dim3A_1 {add = true} : memref<4128xi32, #tpu.memory_space<vmem>>[vector<16xi32>], vector<16xi32>,
      } {sc.loop_unroll_factor = 8 : i64, sc.parallel_access}
      %scan3A_31 = arith.constant 0 : i32
      %scan3A_32 = arith.constant 256 : i32
      %scan3A_33 = arith.addi %scan3A_31, %scan3A_32 : i32
      %scan3A_34 = arith.constant 4 : i32
      %scan3A_35:3 = scf.for %scan3A_109 = %scan3A_31 to %scan3A_33 step %scan3A_34 iter_args(%scan3A_110 = %broadcast_in_dim3A_3, %scan3A_111 = %broadcast_in_dim3A_3, %scan3A_112 = %broadcast_in_dim3A_1) -> (vector<16xi32>, vector<16xi32>, vector<16xi32>)  : i32 {
        %sub3A = arith.constant 255 : i32
        %sub3A_113 = arith.subi %sub3A, %scan3A_109 : i32
        %add3A_114 = vector.broadcast %sub3A_113 : i32 to vector<16xi32>
        %add3A_115 = arith.addi %mul3A_6, %add3A_114 : vector<16xi32>
        %gather3A = tpu.vector_load_idx %arg7[%add3A_115] : memref<4128xi32, #tpu.memory_space<vmem>>[vector<16xi32>], vector<16xi32>,
        tpu.vector_store_idx %arg7[%add3A_115], %broadcast_in_dim3A_3 : memref<4128xi32, #tpu.memory_space<vmem>>[vector<16xi32>], vector<16xi32>,
        %add3A_116 = arith.addi %scan3A_110, %gather3A : vector<16xi32>
        %lt3A = arith.constant 64 : i32
        %lt3A_117 = vector.broadcast %lt3A : i32 to vector<16xi32>
        %lt3A_118 = arith.cmpi slt, %scan3A_110, %lt3A_117 : vector<16xi32>
        %ge3A = arith.constant 64 : i32
        %ge3A_119 = vector.broadcast %ge3A : i32 to vector<16xi32>
        %ge3A_120 = arith.cmpi sge, %add3A_116, %ge3A_119 : vector<16xi32>
        %and3A = arith.andi %lt3A_118, %ge3A_120 : vector<16xi1>
        %broadcast_in_dim3A_121 = vector.broadcast %sub3A_113 : i32 to vector<16xi32>
        %select_n3A = arith.select %and3A, %broadcast_in_dim3A_121, %scan3A_111 : vector<16xi1>, vector<16xi32>
        %sub3A_122 = arith.constant 64 : i32
        %sub3A_123 = vector.broadcast %sub3A_122 : i32 to vector<16xi32>
        %sub3A_124 = arith.subi %sub3A_123, %scan3A_110 : vector<16xi32>
        %select_n3A_125 = arith.select %and3A, %sub3A_124, %scan3A_112 : vector<16xi1>, vector<16xi32>
        %scan3A_126 = arith.constant 1 : i32
        %scan3A_127 = arith.addi %scan3A_109, %scan3A_126 : i32
        %sub3A_128 = arith.constant 255 : i32
        %sub3A_129 = arith.subi %sub3A_128, %scan3A_127 : i32
        %add3A_130 = vector.broadcast %sub3A_129 : i32 to vector<16xi32>
        %add3A_131 = arith.addi %mul3A_6, %add3A_130 : vector<16xi32>
        %gather3A_132 = tpu.vector_load_idx %arg7[%add3A_131] : memref<4128xi32, #tpu.memory_space<vmem>>[vector<16xi32>], vector<16xi32>,
        tpu.vector_store_idx %arg7[%add3A_131], %broadcast_in_dim3A_3 : memref<4128xi32, #tpu.memory_space<vmem>>[vector<16xi32>], vector<16xi32>,
        %add3A_133 = arith.addi %add3A_116, %gather3A_132 : vector<16xi32>
        %lt3A_134 = arith.constant 64 : i32
        %lt3A_135 = vector.broadcast %lt3A_134 : i32 to vector<16xi32>
        %lt3A_136 = arith.cmpi slt, %add3A_116, %lt3A_135 : vector<16xi32>
        %ge3A_137 = arith.constant 64 : i32
        %ge3A_138 = vector.broadcast %ge3A_137 : i32 to vector<16xi32>
        %ge3A_139 = arith.cmpi sge, %add3A_133, %ge3A_138 : vector<16xi32>
        %and3A_140 = arith.andi %lt3A_136, %ge3A_139 : vector<16xi1>
        %broadcast_in_dim3A_141 = vector.broadcast %sub3A_129 : i32 to vector<16xi32>
        %select_n3A_142 = arith.select %and3A_140, %broadcast_in_dim3A_141, %select_n3A : vector<16xi1>, vector<16xi32>
        %sub3A_143 = arith.constant 64 : i32
        %sub3A_144 = vector.broadcast %sub3A_143 : i32 to vector<16xi32>
        %sub3A_145 = arith.subi %sub3A_144, %add3A_116 : vector<16xi32>
        %select_n3A_146 = arith.select %and3A_140, %sub3A_145, %select_n3A_125 : vector<16xi1>, vector<16xi32>
        %scan3A_147 = arith.constant 2 : i32
        %scan3A_148 = arith.addi %scan3A_109, %scan3A_147 : i32
        %sub3A_149 = arith.constant 255 : i32
        %sub3A_150 = arith.subi %sub3A_149, %scan3A_148 : i32
        %add3A_151 = vector.broadcast %sub3A_150 : i32 to vector<16xi32>
        %add3A_152 = arith.addi %mul3A_6, %add3A_151 : vector<16xi32>
        %gather3A_153 = tpu.vector_load_idx %arg7[%add3A_152] : memref<4128xi32, #tpu.memory_space<vmem>>[vector<16xi32>], vector<16xi32>,
        tpu.vector_store_idx %arg7[%add3A_152], %broadcast_in_dim3A_3 : memref<4128xi32, #tpu.memory_space<vmem>>[vector<16xi32>], vector<16xi32>,
        %add3A_154 = arith.addi %add3A_133, %gather3A_153 : vector<16xi32>
        %lt3A_155 = arith.constant 64 : i32
        %lt3A_156 = vector.broadcast %lt3A_155 : i32 to vector<16xi32>
        %lt3A_157 = arith.cmpi slt, %add3A_133, %lt3A_156 : vector<16xi32>
        %ge3A_158 = arith.constant 64 : i32
        %ge3A_159 = vector.broadcast %ge3A_158 : i32 to vector<16xi32>
        %ge3A_160 = arith.cmpi sge, %add3A_154, %ge3A_159 : vector<16xi32>
        %and3A_161 = arith.andi %lt3A_157, %ge3A_160 : vector<16xi1>
        %broadcast_in_dim3A_162 = vector.broadcast %sub3A_150 : i32 to vector<16xi32>
        %select_n3A_163 = arith.select %and3A_161, %broadcast_in_dim3A_162, %select_n3A_142 : vector<16xi1>, vector<16xi32>
        %sub3A_164 = arith.constant 64 : i32
        %sub3A_165 = vector.broadcast %sub3A_164 : i32 to vector<16xi32>
        %sub3A_166 = arith.subi %sub3A_165, %add3A_133 : vector<16xi32>
        %select_n3A_167 = arith.select %and3A_161, %sub3A_166, %select_n3A_146 : vector<16xi1>, vector<16xi32>
        %scan3A_168 = arith.constant 3 : i32
        %scan3A_169 = arith.addi %scan3A_109, %scan3A_168 : i32
        %sub3A_170 = arith.constant 255 : i32
        %sub3A_171 = arith.subi %sub3A_170, %scan3A_169 : i32
        %add3A_172 = vector.broadcast %sub3A_171 : i32 to vector<16xi32>
        %add3A_173 = arith.addi %mul3A_6, %add3A_172 : vector<16xi32>
        %gather3A_174 = tpu.vector_load_idx %arg7[%add3A_173] : memref<4128xi32, #tpu.memory_space<vmem>>[vector<16xi32>], vector<16xi32>,
        tpu.vector_store_idx %arg7[%add3A_173], %broadcast_in_dim3A_3 : memref<4128xi32, #tpu.memory_space<vmem>>[vector<16xi32>], vector<16xi32>,
        %add3A_175 = arith.addi %add3A_154, %gather3A_174 : vector<16xi32>
        %lt3A_176 = arith.constant 64 : i32
        %lt3A_177 = vector.broadcast %lt3A_176 : i32 to vector<16xi32>
        %lt3A_178 = arith.cmpi slt, %add3A_154, %lt3A_177 : vector<16xi32>
        %ge3A_179 = arith.constant 64 : i32
        %ge3A_180 = vector.broadcast %ge3A_179 : i32 to vector<16xi32>
        %ge3A_181 = arith.cmpi sge, %add3A_175, %ge3A_180 : vector<16xi32>
        %and3A_182 = arith.andi %lt3A_178, %ge3A_181 : vector<16xi1>
        %broadcast_in_dim3A_183 = vector.broadcast %sub3A_171 : i32 to vector<16xi32>
        %select_n3A_184 = arith.select %and3A_182, %broadcast_in_dim3A_183, %select_n3A_163 : vector<16xi1>, vector<16xi32>
        %sub3A_185 = arith.constant 64 : i32
        %sub3A_186 = vector.broadcast %sub3A_185 : i32 to vector<16xi32>
        %sub3A_187 = arith.subi %sub3A_186, %add3A_154 : vector<16xi32>
        %select_n3A_188 = arith.select %and3A_182, %sub3A_187, %select_n3A_167 : vector<16xi1>, vector<16xi32>
        scf.yield %add3A_175, %select_n3A_184, %select_n3A_188 : vector<16xi32>, vector<16xi32>, vector<16xi32>
      }
      %scan3A_36 = arith.constant 256 : i32
      %parallel_loop3A_37 = arith.constant 0 : i32
      %parallel_loop3A_38 = arith.constant 2048 : i32
      %parallel_loop3A_39 = arith.constant 1 : i32
      %parallel_loop3A_40 = scf.for %parallel_loop3A_109 = %parallel_loop3A_37 to %parallel_loop3A_38 step %parallel_loop3A_39 iter_args(%parallel_loop3A_110 = %broadcast_in_dim3A_3) -> (vector<16xi32>)  : i32 {
        %parallel_loop3A_111 = vector.broadcast %parallel_loop3A_109 : i32 to vector<16xi32>
        %parallel_loop3A_112 = arith.addi %parallel_loop3A_111, %iota3A : vector<16xi32>
        %parallel_loop3A_113 = arith.constant 2047 : i32
        %parallel_loop3A_114 = vector.broadcast %parallel_loop3A_113 : i32 to vector<16xi32>
        %parallel_loop3A_115 = arith.andi %parallel_loop3A_112, %parallel_loop3A_114 : vector<16xi32>
        %parallel_loop3A_116 = tpu.vector_load_idx %arg4[%iota3A, %parallel_loop3A_115] : memref<16x2048xf32, #tpu.memory_space<vmem>>[vector<16xi32>, vector<16xi32>], vector<16xf32>,
        %parallel_loop3A_117 = vector.bitcast %parallel_loop3A_116 : vector<16xf32> to vector<16xi32>
        %parallel_loop3A_118 = arith.constant 2147483647 : i32
        %parallel_loop3A_119 = vector.broadcast %parallel_loop3A_118 : i32 to vector<16xi32>
        %parallel_loop3A_120 = arith.andi %parallel_loop3A_117, %parallel_loop3A_119 : vector<16xi32>
        %parallel_loop3A_121 = arith.constant 23 : i32
        %parallel_loop3A_122 = vector.broadcast %parallel_loop3A_121 : i32 to vector<16xi32>
        %parallel_loop3A_123 = arith.shrsi %parallel_loop3A_120, %parallel_loop3A_122 : vector<16xi32>
        %parallel_loop3A_124 = arith.cmpi eq, %parallel_loop3A_123, %scan3A_35#1 : vector<16xi32>
        %parallel_loop3A_125 = arith.addi %mul3A_9, %parallel_loop3A_110 : vector<16xi32>
        %parallel_loop3A_126 = arith.constant 8388607 : i32
        %parallel_loop3A_127 = vector.broadcast %parallel_loop3A_126 : i32 to vector<16xi32>
        %parallel_loop3A_128 = arith.andi %parallel_loop3A_120, %parallel_loop3A_127 : vector<16xi32>
        tpu.vector_store_idx %arg5[%parallel_loop3A_125], %parallel_loop3A_128 masked %parallel_loop3A_124 : memref<32912xi32, #tpu.memory_space<vmem>>[vector<16xi32>], vector<16xi32>, vector<16xi1>
        %parallel_loop3A_129 = arith.constant 1 : i32
        %parallel_loop3A_130 = arith.constant 0 : i32
        %parallel_loop3A_131 = vector.broadcast %parallel_loop3A_129 : i32 to vector<16xi32>
        %parallel_loop3A_132 = vector.broadcast %parallel_loop3A_130 : i32 to vector<16xi32>
        %parallel_loop3A_133 = arith.select %parallel_loop3A_124, %parallel_loop3A_131, %parallel_loop3A_132 : vector<16xi1>, vector<16xi32>
        %parallel_loop3A_134 = arith.addi %parallel_loop3A_110, %parallel_loop3A_133 : vector<16xi32>
        scf.yield %parallel_loop3A_134 : vector<16xi32>
      } {sc.loop_unroll_factor = 8 : i64, sc.parallel_access}
      %reduce_max3A = arith.constant true
      %reduce_max3A_41 = vector.broadcast %reduce_max3A : i1 to vector<16xi1>
      %reduce_max3A_42 = arith.constant -2147483648 : i32
      %reduce_max3A_43 = vector.broadcast %reduce_max3A_42 : i32 to vector<16xi32>
      %reduce_max3A_44 = arith.xori %parallel_loop3A_40, %reduce_max3A_43 : vector<16xi32>
      %reduce_max3A_45 = tpu.scan <max>, %reduce_max3A_44 masked %reduce_max3A_41 : vector<16xi32>, vector<16xi1> -> vector<16xi32>
      %reduce_max3A_46 = arith.xori %reduce_max3A_45, %reduce_max3A_43 : vector<16xi32>
      %reduce_max3A_47 = vector.extract %reduce_max3A_46[15] : i32 from vector<16xi32>
      %parallel_loop3A_48 = arith.constant 0 : i32
      %parallel_loop3A_49 = arith.constant 1 : i32
      scf.for %parallel_loop3A_109 = %parallel_loop3A_48 to %reduce_max3A_47 step %parallel_loop3A_49  : i32 {
        %parallel_loop3A_110 = vector.broadcast %parallel_loop3A_109 : i32 to vector<16xi32>
        %parallel_loop3A_111 = arith.addi %mul3A_9, %parallel_loop3A_110 : vector<16xi32>
        %parallel_loop3A_112 = tpu.vector_load_idx %arg5[%parallel_loop3A_111] : memref<32912xi32, #tpu.memory_space<vmem>>[vector<16xi32>], vector<16xi32>,
        %parallel_loop3A_113 = arith.constant 19 : i32
        %parallel_loop3A_114 = vector.broadcast %parallel_loop3A_113 : i32 to vector<16xi32>
        %parallel_loop3A_115 = arith.shrsi %parallel_loop3A_112, %parallel_loop3A_114 : vector<16xi32>
        %parallel_loop3A_116 = arith.constant 15 : i32
        %parallel_loop3A_117 = vector.broadcast %parallel_loop3A_116 : i32 to vector<16xi32>
        %parallel_loop3A_118 = arith.andi %parallel_loop3A_115, %parallel_loop3A_117 : vector<16xi32>
        %parallel_loop3A_119 = arith.addi %mul3A_12, %parallel_loop3A_118 : vector<16xi32>
        %parallel_loop3A_120 = vector.broadcast %parallel_loop3A_109 : i32 to vector<16xi32>
        %parallel_loop3A_121 = arith.cmpi slt, %parallel_loop3A_120, %parallel_loop3A_40 : vector<16xi32>
        %parallel_loop3A_122 = arith.constant 1 : i32
        %parallel_loop3A_123 = arith.constant 0 : i32
        %parallel_loop3A_124 = vector.broadcast %parallel_loop3A_122 : i32 to vector<16xi32>
        %parallel_loop3A_125 = vector.broadcast %parallel_loop3A_123 : i32 to vector<16xi32>
        %parallel_loop3A_126 = arith.select %parallel_loop3A_121, %parallel_loop3A_124, %parallel_loop3A_125 : vector<16xi1>, vector<16xi32>
        tpu.vector_store_idx %arg7[%parallel_loop3A_119], %parallel_loop3A_126 {add = true} : memref<4128xi32, #tpu.memory_space<vmem>>[vector<16xi32>], vector<16xi32>,
      } {sc.loop_unroll_factor = 1 : i64, sc.parallel_access}
      %scan3A_50 = arith.constant 0 : i32
      %scan3A_51 = arith.constant 16 : i32
      %scan3A_52 = arith.addi %scan3A_50, %scan3A_51 : i32
      %scan3A_53 = arith.constant 1 : i32
      %scan3A_54:3 = scf.for %scan3A_109 = %scan3A_50 to %scan3A_52 step %scan3A_53 iter_args(%scan3A_110 = %broadcast_in_dim3A_3, %scan3A_111 = %broadcast_in_dim3A_3, %scan3A_112 = %broadcast_in_dim3A_1) -> (vector<16xi32>, vector<16xi32>, vector<16xi32>)  : i32 {
        %sub3A = arith.constant 15 : i32
        %sub3A_113 = arith.subi %sub3A, %scan3A_109 : i32
        %add3A_114 = vector.broadcast %sub3A_113 : i32 to vector<16xi32>
        %add3A_115 = arith.addi %mul3A_12, %add3A_114 : vector<16xi32>
        %gather3A = tpu.vector_load_idx %arg7[%add3A_115] : memref<4128xi32, #tpu.memory_space<vmem>>[vector<16xi32>], vector<16xi32>,
        tpu.vector_store_idx %arg7[%add3A_115], %broadcast_in_dim3A_3 : memref<4128xi32, #tpu.memory_space<vmem>>[vector<16xi32>], vector<16xi32>,
        %add3A_116 = arith.addi %scan3A_110, %gather3A : vector<16xi32>
        %lt3A = arith.cmpi slt, %scan3A_110, %scan3A_35#2 : vector<16xi32>
        %ge3A = arith.cmpi sge, %add3A_116, %scan3A_35#2 : vector<16xi32>
        %and3A = arith.andi %lt3A, %ge3A : vector<16xi1>
        %broadcast_in_dim3A_117 = vector.broadcast %sub3A_113 : i32 to vector<16xi32>
        %select_n3A = arith.select %and3A, %broadcast_in_dim3A_117, %scan3A_111 : vector<16xi1>, vector<16xi32>
        %sub3A_118 = arith.subi %scan3A_35#2, %scan3A_110 : vector<16xi32>
        %select_n3A_119 = arith.select %and3A, %sub3A_118, %scan3A_112 : vector<16xi1>, vector<16xi32>
        scf.yield %add3A_116, %select_n3A, %select_n3A_119 : vector<16xi32>, vector<16xi32>, vector<16xi32>
      }
      %scan3A_55 = arith.constant 16 : i32
      %parallel_loop3A_56 = arith.constant 0 : i32
      %parallel_loop3A_57 = arith.constant 1 : i32
      %parallel_loop3A_58 = scf.for %parallel_loop3A_109 = %parallel_loop3A_56 to %reduce_max3A_47 step %parallel_loop3A_57 iter_args(%parallel_loop3A_110 = %broadcast_in_dim3A_3) -> (vector<16xi32>)  : i32 {
        %parallel_loop3A_111 = vector.broadcast %parallel_loop3A_109 : i32 to vector<16xi32>
        %parallel_loop3A_112 = arith.addi %mul3A_9, %parallel_loop3A_111 : vector<16xi32>
        %parallel_loop3A_113 = tpu.vector_load_idx %arg5[%parallel_loop3A_112] : memref<32912xi32, #tpu.memory_space<vmem>>[vector<16xi32>], vector<16xi32>,
        %parallel_loop3A_114 = arith.constant 19 : i32
        %parallel_loop3A_115 = vector.broadcast %parallel_loop3A_114 : i32 to vector<16xi32>
        %parallel_loop3A_116 = arith.shrsi %parallel_loop3A_113, %parallel_loop3A_115 : vector<16xi32>
        %parallel_loop3A_117 = arith.constant 15 : i32
        %parallel_loop3A_118 = vector.broadcast %parallel_loop3A_117 : i32 to vector<16xi32>
        %parallel_loop3A_119 = arith.andi %parallel_loop3A_116, %parallel_loop3A_118 : vector<16xi32>
        %parallel_loop3A_120 = arith.cmpi eq, %parallel_loop3A_119, %scan3A_54#1 : vector<16xi32>
        %parallel_loop3A_121 = vector.broadcast %parallel_loop3A_109 : i32 to vector<16xi32>
        %parallel_loop3A_122 = arith.cmpi slt, %parallel_loop3A_121, %parallel_loop3A_40 : vector<16xi32>
        %parallel_loop3A_123 = arith.andi %parallel_loop3A_120, %parallel_loop3A_122 : vector<16xi1>
        %parallel_loop3A_124 = arith.addi %mul3A_9, %parallel_loop3A_110 : vector<16xi32>
        tpu.vector_store_idx %arg6[%parallel_loop3A_124], %parallel_loop3A_113 masked %parallel_loop3A_123 : memref<32912xi32, #tpu.memory_space<vmem>>[vector<16xi32>], vector<16xi32>, vector<16xi1>
        %parallel_loop3A_125 = arith.constant 1 : i32
        %parallel_loop3A_126 = arith.constant 0 : i32
        %parallel_loop3A_127 = vector.broadcast %parallel_loop3A_125 : i32 to vector<16xi32>
        %parallel_loop3A_128 = vector.broadcast %parallel_loop3A_126 : i32 to vector<16xi32>
        %parallel_loop3A_129 = arith.select %parallel_loop3A_123, %parallel_loop3A_127, %parallel_loop3A_128 : vector<16xi1>, vector<16xi32>
        %parallel_loop3A_130 = arith.addi %parallel_loop3A_110, %parallel_loop3A_129 : vector<16xi32>
        scf.yield %parallel_loop3A_130 : vector<16xi32>
      } {sc.loop_unroll_factor = 1 : i64, sc.parallel_access}
      %reduce_max3A_59 = arith.constant true
      %reduce_max3A_60 = vector.broadcast %reduce_max3A_59 : i1 to vector<16xi1>
      %reduce_max3A_61 = arith.constant -2147483648 : i32
      %reduce_max3A_62 = vector.broadcast %reduce_max3A_61 : i32 to vector<16xi32>
      %reduce_max3A_63 = arith.xori %parallel_loop3A_58, %reduce_max3A_62 : vector<16xi32>
      %reduce_max3A_64 = tpu.scan <max>, %reduce_max3A_63 masked %reduce_max3A_60 : vector<16xi32>, vector<16xi1> -> vector<16xi32>
      %reduce_max3A_65 = arith.xori %reduce_max3A_64, %reduce_max3A_62 : vector<16xi32>
      %reduce_max3A_66 = vector.extract %reduce_max3A_65[15] : i32 from vector<16xi32>
      %parallel_loop3A_67 = arith.constant 0 : i32
      %parallel_loop3A_68 = arith.constant 1 : i32
      scf.for %parallel_loop3A_109 = %parallel_loop3A_67 to %reduce_max3A_66 step %parallel_loop3A_68  : i32 {
        %parallel_loop3A_110 = vector.broadcast %parallel_loop3A_109 : i32 to vector<16xi32>
        %parallel_loop3A_111 = arith.addi %mul3A_9, %parallel_loop3A_110 : vector<16xi32>
        %parallel_loop3A_112 = tpu.vector_load_idx %arg6[%parallel_loop3A_111] : memref<32912xi32, #tpu.memory_space<vmem>>[vector<16xi32>], vector<16xi32>,
        %parallel_loop3A_113 = arith.constant 15 : i32
        %parallel_loop3A_114 = vector.broadcast %parallel_loop3A_113 : i32 to vector<16xi32>
        %parallel_loop3A_115 = arith.shrsi %parallel_loop3A_112, %parallel_loop3A_114 : vector<16xi32>
        %parallel_loop3A_116 = arith.constant 15 : i32
        %parallel_loop3A_117 = vector.broadcast %parallel_loop3A_116 : i32 to vector<16xi32>
        %parallel_loop3A_118 = arith.andi %parallel_loop3A_115, %parallel_loop3A_117 : vector<16xi32>
        %parallel_loop3A_119 = arith.addi %mul3A_12, %parallel_loop3A_118 : vector<16xi32>
        %parallel_loop3A_120 = vector.broadcast %parallel_loop3A_109 : i32 to vector<16xi32>
        %parallel_loop3A_121 = arith.cmpi slt, %parallel_loop3A_120, %parallel_loop3A_58 : vector<16xi32>
        %parallel_loop3A_122 = arith.constant 1 : i32
        %parallel_loop3A_123 = arith.constant 0 : i32
        %parallel_loop3A_124 = vector.broadcast %parallel_loop3A_122 : i32 to vector<16xi32>
        %parallel_loop3A_125 = vector.broadcast %parallel_loop3A_123 : i32 to vector<16xi32>
        %parallel_loop3A_126 = arith.select %parallel_loop3A_121, %parallel_loop3A_124, %parallel_loop3A_125 : vector<16xi1>, vector<16xi32>
        tpu.vector_store_idx %arg7[%parallel_loop3A_119], %parallel_loop3A_126 {add = true} : memref<4128xi32, #tpu.memory_space<vmem>>[vector<16xi32>], vector<16xi32>,
      } {sc.loop_unroll_factor = 1 : i64, sc.parallel_access}
      %scan3A_69 = arith.constant 0 : i32
      %scan3A_70 = arith.constant 16 : i32
      %scan3A_71 = arith.addi %scan3A_69, %scan3A_70 : i32
      %scan3A_72 = arith.constant 1 : i32
      %scan3A_73:3 = scf.for %scan3A_109 = %scan3A_69 to %scan3A_71 step %scan3A_72 iter_args(%scan3A_110 = %broadcast_in_dim3A_3, %scan3A_111 = %broadcast_in_dim3A_3, %scan3A_112 = %broadcast_in_dim3A_1) -> (vector<16xi32>, vector<16xi32>, vector<16xi32>)  : i32 {
        %sub3A = arith.constant 15 : i32
        %sub3A_113 = arith.subi %sub3A, %scan3A_109 : i32
        %add3A_114 = vector.broadcast %sub3A_113 : i32 to vector<16xi32>
        %add3A_115 = arith.addi %mul3A_12, %add3A_114 : vector<16xi32>
        %gather3A = tpu.vector_load_idx %arg7[%add3A_115] : memref<4128xi32, #tpu.memory_space<vmem>>[vector<16xi32>], vector<16xi32>,
        tpu.vector_store_idx %arg7[%add3A_115], %broadcast_in_dim3A_3 : memref<4128xi32, #tpu.memory_space<vmem>>[vector<16xi32>], vector<16xi32>,
        %add3A_116 = arith.addi %scan3A_110, %gather3A : vector<16xi32>
        %lt3A = arith.cmpi slt, %scan3A_110, %scan3A_54#2 : vector<16xi32>
        %ge3A = arith.cmpi sge, %add3A_116, %scan3A_54#2 : vector<16xi32>
        %and3A = arith.andi %lt3A, %ge3A : vector<16xi1>
        %broadcast_in_dim3A_117 = vector.broadcast %sub3A_113 : i32 to vector<16xi32>
        %select_n3A = arith.select %and3A, %broadcast_in_dim3A_117, %scan3A_111 : vector<16xi1>, vector<16xi32>
        %sub3A_118 = arith.subi %scan3A_54#2, %scan3A_110 : vector<16xi32>
        %select_n3A_119 = arith.select %and3A, %sub3A_118, %scan3A_112 : vector<16xi1>, vector<16xi32>
        scf.yield %add3A_116, %select_n3A, %select_n3A_119 : vector<16xi32>, vector<16xi32>, vector<16xi32>
      }
      %scan3A_74 = arith.constant 16 : i32
      %parallel_loop3A_75 = arith.constant 0 : i32
      %parallel_loop3A_76 = arith.constant 1 : i32
      %parallel_loop3A_77 = scf.for %parallel_loop3A_109 = %parallel_loop3A_75 to %reduce_max3A_66 step %parallel_loop3A_76 iter_args(%parallel_loop3A_110 = %broadcast_in_dim3A_3) -> (vector<16xi32>)  : i32 {
        %parallel_loop3A_111 = vector.broadcast %parallel_loop3A_109 : i32 to vector<16xi32>
        %parallel_loop3A_112 = arith.addi %mul3A_9, %parallel_loop3A_111 : vector<16xi32>
        %parallel_loop3A_113 = tpu.vector_load_idx %arg6[%parallel_loop3A_112] : memref<32912xi32, #tpu.memory_space<vmem>>[vector<16xi32>], vector<16xi32>,
        %parallel_loop3A_114 = arith.constant 15 : i32
        %parallel_loop3A_115 = vector.broadcast %parallel_loop3A_114 : i32 to vector<16xi32>
        %parallel_loop3A_116 = arith.shrsi %parallel_loop3A_113, %parallel_loop3A_115 : vector<16xi32>
        %parallel_loop3A_117 = arith.constant 15 : i32
        %parallel_loop3A_118 = vector.broadcast %parallel_loop3A_117 : i32 to vector<16xi32>
        %parallel_loop3A_119 = arith.andi %parallel_loop3A_116, %parallel_loop3A_118 : vector<16xi32>
        %parallel_loop3A_120 = arith.cmpi eq, %parallel_loop3A_119, %scan3A_73#1 : vector<16xi32>
        %parallel_loop3A_121 = vector.broadcast %parallel_loop3A_109 : i32 to vector<16xi32>
        %parallel_loop3A_122 = arith.cmpi slt, %parallel_loop3A_121, %parallel_loop3A_58 : vector<16xi32>
        %parallel_loop3A_123 = arith.andi %parallel_loop3A_120, %parallel_loop3A_122 : vector<16xi1>
        %parallel_loop3A_124 = arith.addi %mul3A_9, %parallel_loop3A_110 : vector<16xi32>
        tpu.vector_store_idx %arg5[%parallel_loop3A_124], %parallel_loop3A_113 masked %parallel_loop3A_123 : memref<32912xi32, #tpu.memory_space<vmem>>[vector<16xi32>], vector<16xi32>, vector<16xi1>
        %parallel_loop3A_125 = arith.constant 1 : i32
        %parallel_loop3A_126 = arith.constant 0 : i32
        %parallel_loop3A_127 = vector.broadcast %parallel_loop3A_125 : i32 to vector<16xi32>
        %parallel_loop3A_128 = vector.broadcast %parallel_loop3A_126 : i32 to vector<16xi32>
        %parallel_loop3A_129 = arith.select %parallel_loop3A_123, %parallel_loop3A_127, %parallel_loop3A_128 : vector<16xi1>, vector<16xi32>
        %parallel_loop3A_130 = arith.addi %parallel_loop3A_110, %parallel_loop3A_129 : vector<16xi32>
        scf.yield %parallel_loop3A_130 : vector<16xi32>
      } {sc.loop_unroll_factor = 1 : i64, sc.parallel_access}
      %reduce_max3A_78 = arith.constant true
      %reduce_max3A_79 = vector.broadcast %reduce_max3A_78 : i1 to vector<16xi1>
      %reduce_max3A_80 = arith.constant -2147483648 : i32
      %reduce_max3A_81 = vector.broadcast %reduce_max3A_80 : i32 to vector<16xi32>
      %reduce_max3A_82 = arith.xori %parallel_loop3A_77, %reduce_max3A_81 : vector<16xi32>
      %reduce_max3A_83 = tpu.scan <max>, %reduce_max3A_82 masked %reduce_max3A_79 : vector<16xi32>, vector<16xi1> -> vector<16xi32>
      %reduce_max3A_84 = arith.xori %reduce_max3A_83, %reduce_max3A_81 : vector<16xi32>
      %reduce_max3A_85 = vector.extract %reduce_max3A_84[15] : i32 from vector<16xi32>
      %shift_left3A = arith.constant 19 : i32
      %shift_left3A_86 = vector.broadcast %shift_left3A : i32 to vector<16xi32>
      %shift_left3A_87 = arith.shli %scan3A_54#1, %shift_left3A_86 : vector<16xi32>
      %shift_left3A_88 = arith.constant 15 : i32
      %shift_left3A_89 = vector.broadcast %shift_left3A_88 : i32 to vector<16xi32>
      %shift_left3A_90 = arith.shli %scan3A_73#1, %shift_left3A_89 : vector<16xi32>
      %add3A_91 = arith.addi %shift_left3A_87, %shift_left3A_90 : vector<16xi32>
      %add3A_92 = arith.constant 32768 : i32
      %add3A_93 = vector.broadcast %add3A_92 : i32 to vector<16xi32>
      %add3A_94 = arith.addi %add3A_91, %add3A_93 : vector<16xi32>
      %scan3A_95 = arith.constant 0 : i32
      %scan3A_96 = arith.constant 15 : i32
      %scan3A_97 = arith.addi %scan3A_95, %scan3A_96 : i32
      %scan3A_98 = arith.constant 1 : i32
      %scan3A_99:2 = scf.for %scan3A_109 = %scan3A_95 to %scan3A_97 step %scan3A_98 iter_args(%scan3A_110 = %add3A_91, %scan3A_111 = %add3A_94) -> (vector<16xi32>, vector<16xi32>)  : i32 {
        %sub3A = arith.subi %scan3A_111, %scan3A_110 : vector<16xi32>
        %shift_right_arithmetic3A = arith.constant 1 : i32
        %shift_right_arithmetic3A_112 = vector.broadcast %shift_right_arithmetic3A : i32 to vector<16xi32>
        %shift_right_arithmetic3A_113 = arith.shrsi %sub3A, %shift_right_arithmetic3A_112 : vector<16xi32>
        %add3A_114 = arith.addi %scan3A_110, %shift_right_arithmetic3A_113 : vector<16xi32>
        %parallel_loop3A_115 = arith.constant 0 : i32
        %parallel_loop3A_116 = arith.constant 1 : i32
        %parallel_loop3A_117 = scf.for %parallel_loop3A_119 = %parallel_loop3A_115 to %reduce_max3A_85 step %parallel_loop3A_116 iter_args(%parallel_loop3A_120 = %broadcast_in_dim3A_3) -> (vector<16xi32>)  : i32 {
          %parallel_loop3A_121 = vector.broadcast %parallel_loop3A_119 : i32 to vector<16xi32>
          %parallel_loop3A_122 = arith.addi %mul3A_9, %parallel_loop3A_121 : vector<16xi32>
          %parallel_loop3A_123 = tpu.vector_load_idx %arg5[%parallel_loop3A_122] : memref<32912xi32, #tpu.memory_space<vmem>>[vector<16xi32>], vector<16xi32>,
          %parallel_loop3A_124 = vector.broadcast %parallel_loop3A_119 : i32 to vector<16xi32>
          %parallel_loop3A_125 = arith.cmpi slt, %parallel_loop3A_124, %parallel_loop3A_77 : vector<16xi32>
          %parallel_loop3A_126 = arith.cmpi sge, %parallel_loop3A_123, %add3A_114 : vector<16xi32>
          %parallel_loop3A_127 = arith.andi %parallel_loop3A_125, %parallel_loop3A_126 : vector<16xi1>
          %parallel_loop3A_128 = arith.constant 1 : i32
          %parallel_loop3A_129 = arith.constant 0 : i32
          %parallel_loop3A_130 = vector.broadcast %parallel_loop3A_128 : i32 to vector<16xi32>
          %parallel_loop3A_131 = vector.broadcast %parallel_loop3A_129 : i32 to vector<16xi32>
          %parallel_loop3A_132 = arith.select %parallel_loop3A_127, %parallel_loop3A_130, %parallel_loop3A_131 : vector<16xi1>, vector<16xi32>
          %parallel_loop3A_133 = arith.addi %parallel_loop3A_120, %parallel_loop3A_132 : vector<16xi32>
          scf.yield %parallel_loop3A_133 : vector<16xi32>
        } {sc.loop_unroll_factor = 1 : i64, sc.parallel_access}
        %ge3A = arith.cmpi sge, %parallel_loop3A_117, %scan3A_73#2 : vector<16xi32>
        %select_n3A = arith.select %ge3A, %add3A_114, %scan3A_110 : vector<16xi1>, vector<16xi32>
        %select_n3A_118 = arith.select %ge3A, %scan3A_111, %add3A_114 : vector<16xi1>, vector<16xi32>
        scf.yield %select_n3A, %select_n3A_118 : vector<16xi32>, vector<16xi32>
      }
      %scan3A_100 = arith.constant 15 : i32
      %shift_left3A_101 = arith.constant 23 : i32
      %shift_left3A_102 = vector.broadcast %shift_left3A_101 : i32 to vector<16xi32>
      %shift_left3A_103 = arith.shli %scan3A_35#1, %shift_left3A_102 : vector<16xi32>
      %add3A_104 = arith.addi %shift_left3A_103, %scan3A_99#0 : vector<16xi32>
      %mul3A_105 = arith.constant 16 : i32
      %mul3A_106 = arith.muli %scan3A_23, %mul3A_105 : i32
      %swap3A = arith.index_cast %mul3A_106 : i32 to index
      %swap3A_107 = tpu.vector_load %arg8[%swap3A] {strides = array<i32>} : memref<64xi32, #tpu.memory_space<vmem>>, vector<16xi32>,
      tpu.vector_store %arg8[%swap3A], %add3A_104 {strides = array<i32>} : memref<64xi32, #tpu.memory_space<vmem>>, vector<16xi32>,
      %scan3A_108 = arith.constant 0 : i32
      scf.yield %scan3A_108 : i32
    }
    %scan3A_22 = arith.constant 4 : i32
    "tpu.region"() ({
      %run_scoped3A = tpu.sem_alloc : memref<!tpu.dma_semaphore, #tpu.memory_space<semaphore_mem>>
      %dma_start3A = tpu.memref_slice %arg3[%mul3A_14] : memref<2048xi32, #tpu.memory_space<hbm>> -> memref<64xi32, #tpu.memory_space<hbm>>
      %dma_start3A_23 = tpu.memref_slice %arg3[%mul3A_14] : memref<2048xi32, #tpu.memory_space<hbm>> -> memref<64xi32, #tpu.memory_space<hbm>>
      tpu.enqueue_dma source(%arg8 : memref<64xi32, #tpu.memory_space<vmem>>) target(%dma_start3A_23 : memref<64xi32, #tpu.memory_space<hbm>>) target_semaphore(%run_scoped3A : memref<!tpu.dma_semaphore, #tpu.memory_space<semaphore_mem>>)
      %dma_wait3A = tpu.memref_slice %arg3[%mul3A_14] : memref<2048xi32, #tpu.memory_space<hbm>> -> memref<64xi32, #tpu.memory_space<hbm>>
      %dma_wait3A_24 = tpu.memref_slice %arg3[%mul3A_14] : memref<2048xi32, #tpu.memory_space<hbm>> -> memref<64xi32, #tpu.memory_space<hbm>>
      tpu.wait_dma2 semaphore(%run_scoped3A : memref<!tpu.dma_semaphore, #tpu.memory_space<semaphore_mem>>) src(%arg8 : memref<64xi32, #tpu.memory_space<vmem>>) dst(%dma_wait3A_24 : memref<64xi32, #tpu.memory_space<hbm>>)
      tpu.yield
    }) : () -> ()
    return
  }
}

module attributes {stable_mosaic.version = 14 : i64} {
  func.func @_mask_body(%arg0: i32, %arg1: memref<512x2048xf32, #tpu.memory_space<vmem>>, %arg2: memref<512x1xi32, #tpu.memory_space<vmem>>, %arg3: memref<512x2048xf32, #tpu.memory_space<vmem>>) attributes {dimension_semantics = [#tpu.dimension_semantics<arbitrary>], iteration_bounds = array<i64: 4>, scalar_prefetch = 0 : i64, scratch_operands = 0 : i64, tpu.core_type = #tpu.core_type<tc>, window_params = [{transform_indices = @transform_0, window_bounds = array<i64: 512, 2048>}, {transform_indices = @transform_1, window_bounds = array<i64: 512, 1>}, {transform_indices = @transform_2, window_bounds = array<i64: 512, 2048>}]} {
    %get3A = arith.constant 0 : index
    %get3A_0 = arith.constant 0 : index
    %get3A_1 = vector.load %arg1[%get3A, %get3A_0] : memref<512x2048xf32, #tpu.memory_space<vmem>>, vector<512x2048xf32>
    %abs3A = math.absf %get3A_1 : vector<512x2048xf32>
    %bitcast_convert_type3A = tpu.bitcast %abs3A : vector<512x2048xf32> -> vector<512x2048xi32>
    %get3A_2 = arith.constant 0 : index
    %get3A_3 = arith.constant 0 : index
    %get3A_4 = vector.load %arg2[%get3A_2, %get3A_3] : memref<512x1xi32, #tpu.memory_space<vmem>>, vector<512x1xi32>
    %ge3A = vector.broadcast %get3A_4 : vector<512x1xi32> to vector<512x2048xi32>
    %ge3A_5 = arith.cmpi sge, %bitcast_convert_type3A, %ge3A : vector<512x2048xi32>
    %jit3A = arith.constant 0.000000e+00 : f32
    %broadcast_in_dim3A = vector.broadcast %jit3A : f32 to vector<512x2048xf32>
    %select_n3A = arith.select %ge3A_5, %get3A_1, %broadcast_in_dim3A : vector<512x2048xi1>, vector<512x2048xf32>
    %swap3A = arith.constant 0 : index
    %swap3A_6 = arith.constant 0 : index
    %swap3A_7 = vector.load %arg3[%swap3A, %swap3A_6] : memref<512x2048xf32, #tpu.memory_space<vmem>>, vector<512x2048xf32>
    tpu.vector_store %arg3[%swap3A, %swap3A_6], %select_n3A {strides = array<i32>} : memref<512x2048xf32, #tpu.memory_space<vmem>>, vector<512x2048xf32>,
    return
  }
  func.func @transform_0(%arg0: i32) -> (i32, i32) {
    %c0_i32 = arith.constant 0 : i32
    %c0_i32_0 = arith.constant 0 : i32
    return %arg0, %c0_i32 : i32, i32
  }
  func.func @transform_1(%arg0: i32) -> (i32, i32) {
    %c0_i32 = arith.constant 0 : i32
    %c0_i32_0 = arith.constant 0 : i32
    return %arg0, %c0_i32 : i32, i32
  }
  func.func @transform_2(%arg0: i32) -> (i32, i32) {
    %c0_i32 = arith.constant 0 : i32
    %c0_i32_0 = arith.constant 0 : i32
    return %arg0, %c0_i32 : i32, i32
  }
}

module attributes {stable_mosaic.version = 14 : i64} {
  func.func @_mm_body(%arg0: i32, %arg1: memref<512x2048xf32, #tpu.memory_space<vmem>>, %arg2: memref<2048x2048xf32, #tpu.memory_space<vmem>>, %arg3: memref<1x2048xf32, #tpu.memory_space<vmem>>, %arg4: memref<512x2048xf32, #tpu.memory_space<vmem>>) attributes {dimension_semantics = [#tpu.dimension_semantics<arbitrary>], iteration_bounds = array<i64: 4>, scalar_prefetch = 0 : i64, scratch_operands = 0 : i64, tpu.core_type = #tpu.core_type<tc>, window_params = [{transform_indices = @transform_0, window_bounds = array<i64: 512, 2048>}, {pipeline_mode = #tpu.pipeline_mode<synchronous>, transform_indices = @transform_1, window_bounds = array<i64: 2048, 2048>}, {pipeline_mode = #tpu.pipeline_mode<synchronous>, transform_indices = @transform_2, window_bounds = array<i64: 1, 2048>}, {transform_indices = @transform_3, window_bounds = array<i64: 512, 2048>}]} {
    %get3A = arith.constant 0 : index
    %get3A_0 = arith.constant 0 : index
    %get3A_1 = vector.load %arg1[%get3A, %get3A_0] : memref<512x2048xf32, #tpu.memory_space<vmem>>, vector<512x2048xf32>
    %get3A_2 = arith.constant 0 : index
    %get3A_3 = arith.constant 0 : index
    %get3A_4 = vector.load %arg2[%get3A_2, %get3A_3] : memref<2048x2048xf32, #tpu.memory_space<vmem>>, vector<2048x2048xf32>
    %dot_general3A = arith.constant dense<0.000000e+00> : vector<512x2048xf32>
    %dot_general3A_5 = tpu.matmul %get3A_1, %get3A_4, %dot_general3A {dimension_numbers = #tpu.dot_dimension_numbers<[1], [1], [0], [0], [0, 0, 1, 0], [], []>, transpose_lhs_hint = false} : vector<512x2048xf32>, vector<2048x2048xf32>, vector<512x2048xf32> -> vector<512x2048xf32>
    %get3A_6 = arith.constant 0 : index
    %get3A_7 = arith.constant 0 : index
    %get3A_8 = vector.load %arg3[%get3A_6, %get3A_7] : memref<1x2048xf32, #tpu.memory_space<vmem>>, vector<1x2048xf32>
    %add3A = vector.broadcast %get3A_8 : vector<1x2048xf32> to vector<512x2048xf32>
    %add3A_9 = arith.addf %dot_general3A_5, %add3A : vector<512x2048xf32>
    %swap3A = arith.constant 0 : index
    %swap3A_10 = arith.constant 0 : index
    %swap3A_11 = vector.load %arg4[%swap3A, %swap3A_10] : memref<512x2048xf32, #tpu.memory_space<vmem>>, vector<512x2048xf32>
    tpu.vector_store %arg4[%swap3A, %swap3A_10], %add3A_9 {strides = array<i32>} : memref<512x2048xf32, #tpu.memory_space<vmem>>, vector<512x2048xf32>,
    return
  }
  func.func @transform_0(%arg0: i32) -> (i32, i32) {
    %c0_i32 = arith.constant 0 : i32
    %c0_i32_0 = arith.constant 0 : i32
    return %arg0, %c0_i32 : i32, i32
  }
  func.func @transform_1(%arg0: i32) -> (i32, i32) {
    %c0_i32 = arith.constant 0 : i32
    %c0_i32_0 = arith.constant 0 : i32
    %c0_i32_1 = arith.constant 0 : i32
    return %c0_i32, %c0_i32_0 : i32, i32
  }
  func.func @transform_2(%arg0: i32) -> (i32, i32) {
    %c0_i32 = arith.constant 0 : i32
    %c0_i32_0 = arith.constant 0 : i32
    %c0_i32_1 = arith.constant 0 : i32
    return %c0_i32, %c0_i32_0 : i32, i32
  }
  func.func @transform_3(%arg0: i32) -> (i32, i32) {
    %c0_i32 = arith.constant 0 : i32
    %c0_i32_0 = arith.constant 0 : i32
    return %arg0, %c0_i32 : i32, i32
  }
}

</mosaic_0001>

<sc_bundles>
// kernel: kernel.5.cloned.1.call-start
scs
__scs_entry_jumppad:
0x0: {  	(pc) =	sbr.rel $0x88, $3  }
0x1: {  	(tag) =	ssettag $0x0;
	lr =	simm.s32 $0x1  }
0x2: {  	[smem:$0x3F9E] =	sst lr;
	_ =	strace $0xD0000000  }
0x3: {  	_ = 	snop  }
0x4: {  	_ = 	snop  }
0x5: {  	_ = 	snop  }
0x6: {  	_ = 	snop  }
0x7: {  	_ = 	snop  }
__scs_overlays_trampoline_lowered:
0x8: {  	[smem:$0x3FAD] =	sst s0  }
0x9: {  	[smem:$0x3FAE] =	sst s1  }
0xa: {  	[smem:$0x3FAF] =	sst s2  }
0xb: {  	[smem:$0x3FB0] =	sst s3  }
0xc: {  	[smem:$0x3FB1] =	sst s4  }
0xd: {  	[smem:$0x3FB2] =	sst s5  }
0xe: {  	[smem:$0x3FB3] =	sst s6  }
0xf: {  	[smem:$0x3FB4] =	sst s7  }
0x10: {  	[smem:$0x3FB5] =	sst s8  }
0x11: {  	[smem:$0x3FB6] =	sst s9;
	s0 =	simm.s32 @!p0 $0x0  }
0x12: {  	s1 =	sld [smem:$0x3F9C];
	s0 =	simm.s32 @p0 $0x1  }
0x13: {  	[smem:$0x3FB7] =	sst s0;
	s0 =	simm.s32 @!p1 $0x0  }
0x14: {  	s2 =	sld [smem:$0x3F9B];
	s0 =	simm.s32 @p1 $0x1  }
0x15: {  	[smem:$0x3FB8] =	sst s0;
	s0 =	simm.s32 @!p2 $0x0  }
0x16: {  	s3 =	sld [smem:$0x3FDB];
	s0 =	simm.s32 @p2 $0x1  }
0x17: {  	s4 =	simm.s32 $0x1BF5;
	[smem:$0x3FBA] =	sst s0  }
0x18: {  	s0 =	sld [smem:$0x3F9D];
	_ =	swait.ge [sflag:s4], $0x0  }
0x19: {  	s7 =	sld [smem:$0x3F9E]  }
0x1a: {  	s8 =	sadd.s32 $0xFFFFE003, lr  }
0x1b: {  	s9 =	sadd.s32 $0xFFFFFEF7, lr;
	s5 =	simm.s32 $0xFFFFFFFF;
	p2 =	slt.u32 s8, $0xFFFFF086  }
0x1c: {  	p1 =	slt.u32 s9, $0xF7A;
	s5 =	simm.s32 @!p2 $0x0  }
0x1d: {  	s5 =	simm.s32 @p1 $0x1;
	p0 =	seq.s32 s7, s2  }
0x1e: {  	s7 =	smul.u32 @!p0 $0xF7A, s2;
	p2 =	seq.s32 @!p0 s5, $0x0  }
0x1f: {  	s9 =	smul.u32 $0xF7A, s1;
	s8 =	simm.s32 @!p0 $0x1BF5;
	p2 =	por !p2, p0  }
0x20: {  	[sflag:s8] =	ssyncset.s32 @!p0 $0xFFFFF086;
	s6 =	sadd.s32 @!p0 s3, s7;
	s7 =	simm.s32 @!p0 $0x108  }
0x21: {  	s3 =	sadd.s32 s3, s9;
	s6 =	sadd.s32 @!p0 $0x88, s6;
	s7 =	simm.s32 @p2 $0x1082  }
0x22: {  	[simem:s7], [sflag:s8] =	dma.local @!p0 [hbm:s6], $0xF7A  }
0x23: {  	s9 =	sor.u32 $0xD0000000, s2;
	s6 =	simm.s32 $0x108;
	_ =	swait.ge @!p0 [sflag:s8], $0x0  }
0x24: {  	s3 =	sadd.s32 $0x88, s3;
	s6 =	simm.s32 @!p1 $0x1082;
	[sflag:s4] =	ssyncset.s32 $0xFFFFF086  }
0x25: {  	[simem:s6], [sflag:s4] =	dma.local [hbm:s3], $0xF7A  }
0x26: {  	[smem:$0x3F9E] =	sst s1;
	(tag) =	ssettag s2;
	_ =	strace s9  }
0x27: {  	s1 =	sld [smem:$0x3FAE]  }
0x28: {  	s2 =	sld [smem:$0x3FAF]  }
0x29: {  	s4 =	sld [smem:$0x3FB1]  }
0x2a: {  	p0 =	seq.s32 s5, $0x0;
	s5 =	sld [smem:$0x3FB2]  }
0x2b: {  	s6 =	sld [smem:$0x3FB3]  }
0x2c: {  	s7 =	sld [smem:$0x3FB4]  }
0x2d: {  	s3 =	simm.s32 $0x108;
	s8 =	sld [smem:$0x3FB5]  }
0x2e: {  	s3 =	simm.s32 @!p0 $0x1082;
	s9 =	sld [smem:$0x3FB6]  }
0x2f: {  	lr =	sadd.s32 s0, s3;
	s0 =	sld [smem:$0x3FAD]  }
0x30: {  	s3 =	sld [smem:$0x3FB0]  }
0x31: {  	[smem:$0x3FB9] =	sst s10  }
0x32: {  	s10 =	sld [smem:$0x3FB7];
	_ =	sdelay $0x3  }
0x33: {  	p0 =	seq.s32 s10, $0x1;
	s10 =	sld [smem:$0x3FB9];
	_ =	sdelay $0x3  }
0x34: {  	[smem:$0x3FB9] =	sst s10  }
0x35: {  	s10 =	sld [smem:$0x3FB8];
	_ =	sdelay $0x3  }
0x36: {  	p1 =	seq.s32 s10, $0x1;
	s10 =	sld [smem:$0x3FB9];
	_ =	sdelay $0x3  }
0x37: {  	[smem:$0x3FB9] =	sst s10  }
0x38: {  	s10 =	sld [smem:$0x3FBA]  }
0x39: {  	_ = 	snop;
	(pc) =	sbr.ind lr, $3  }
0x3a: {  	_ = 	snop  }
0x3b: {  	_ = 	snop  }
0x3c: {  	p2 =	seq.s32 s10, $0x1;
	s10 =	sld [smem:$0x3FB9]  }
0x3d: {  	_ =	shalt  }
0x3e: {  	_ =	shalt  }
0x3f: {  	_ =	shalt  }
0x40: {  	_ =	shalt  }
0x41: {  	_ =	shalt  }
0x42: {  	_ =	shalt  }
0x43: {  	_ =	shalt  }
0x44: {  	_ =	shalt  }
0x45: {  	_ =	shalt  }
0x46: {  	_ =	shalt  }
0x47: {  	_ =	shalt  }
0x48: {  	_ =	shalt  }
0x49: {  	_ =	shalt  }
0x4a: {  	_ =	shalt  }
0x4b: {  	_ =	shalt  }
0x4c: {  	_ =	shalt  }
0x4d: {  	_ =	shalt  }
0x4e: {  	_ =	shalt  }
0x4f: {  	_ =	shalt  }
0x50: {  	_ =	shalt  }
0x51: {  	_ =	shalt  }
0x52: {  	_ =	shalt  }
0x53: {  	_ =	shalt  }
0x54: {  	_ =	shalt  }
0x55: {  	_ =	shalt  }
0x56: {  	_ =	shalt  }
0x57: {  	_ =	shalt  }
0x58: {  	_ =	shalt  }
0x59: {  	_ =	shalt  }
0x5a: {  	_ =	shalt  }
0x5b: {  	_ =	shalt  }
0x5c: {  	_ =	shalt  }
0x5d: {  	_ =	shalt  }
0x5e: {  	_ =	shalt  }
0x5f: {  	_ =	shalt  }
0x60: {  	_ =	shalt  }
0x61: {  	_ =	shalt  }
0x62: {  	_ =	shalt  }
0x63: {  	_ =	shalt  }
0x64: {  	_ =	shalt  }
0x65: {  	_ =	shalt  }
0x66: {  	_ =	shalt  }
0x67: {  	_ =	shalt  }
0x68: {  	_ =	shalt  }
0x69: {  	_ =	shalt  }
0x6a: {  	_ =	shalt  }
0x6b: {  	_ =	shalt  }
0x6c: {  	_ =	shalt  }
0x6d: {  	_ =	shalt  }
0x6e: {  	_ =	shalt  }
0x6f: {  	_ =	shalt  }
0x70: {  	_ =	shalt  }
0x71: {  	_ =	shalt  }
0x72: {  	_ =	shalt  }
0x73: {  	_ =	shalt  }
0x74: {  	_ =	shalt  }
0x75: {  	_ =	shalt  }
0x76: {  	_ =	shalt  }
0x77: {  	_ =	shalt  }
0x78: {  	_ =	shalt  }
0x79: {  	_ =	shalt  }
0x7a: {  	_ =	shalt  }
0x7b: {  	_ =	shalt  }
0x7c: {  	_ =	shalt  }
0x7d: {  	_ =	shalt  }
0x7e: {  	_ =	shalt  }
0x7f: {  	_ =	shalt  }
0x80: {  	_ =	shalt  }
0x81: {  	_ =	shalt  }
0x82: {  	_ =	shalt  }
0x83: {  	_ =	shalt  }
0x84: {  	_ =	shalt  }
0x85: {  	_ =	shalt  }
0x86: {  	_ =	shalt  }
0x87: {  	_ =	shalt  }
.Lfunc_end0:
.L_simem_size_0:
called_computation_lowered:
.L_overlay_start_0:
0x88: {  	s2 =	sld [smem:$0x3FD9]  }
0x89: {  	s3 =	sld [smem:$0x3FFE];
	_ =	sdelay $0x1  }
0x8a: {  	s1 =	srdreg.scid  }
0x8b: {  	s0 =	sand.u32 $0x1, s1  }
0x8c: {  	s17 =	sshll.u32 s0, $0xA;
	s2 =	sadd.s32 s3, s2  }
0x8d: {  	s2 =	sadd.s32 s2, s17  }
0x8e: {  	[smem:$0x3FC5] =	sst s2  }
0x8f: {  	_ = 	snop  }
0x90: {  	s2 =	sld [smem:$0x3FD0];
	(tm) =	ssettm $0x1  }
0x91: {  	s18 =	sld [smem:$0x3FFB];
	_ =	sdelay $0x3  }
0x92: {  	_ =	strace s18  }
0x93: {  	s3 =	sld [smem:$0x3FFC];
	_ =	sdelay $0x3  }
0x94: {  	_ =	strace s3  }
0x95: {  	s3 =	sld [smem:$0x3FFD];
	_ =	sdelay $0x3  }
0x96: {  	_ =	strace s3  }
0x97: {  	_ =	strace $0x8FFFFFFF  }
0x98: {  	s19 =	sld [smem:$0x3FDB];
	_ =	sdelay $0x1  }
0x99: {  	s4 =	simm.s32 $_scs_section_size  }
0x9a: {  	s5 =	simm.s32 $_size__tile_overlayer_lowered;
	s6 =	simm.s32 $_tile_overlayer_lowered  }
0x9b: {  	s22 =	simm.s32 $0x1BFF;
	s21 =	sshll.u32 s6, $0x1;
	s3 =	sadd.s32 s4, s19  }
0x9c: {  	s7 =	simm.s32 $0x0;
	s20 =	sshll.u32 s5, $0x1;
	s5 =	sadd.s32 s21, s3  }
0x9d: {  	[timem:s7], [sflag:s22] =	dma.local [hbm:s5], s20  }
0x9e: {  	_ =	swait.ge [sflag:s22], s20  }
0x9f: {  	s4 =	ssub.s32 $0x0, s20;
	[sflag:s22] =	ssyncset.done $0x0  }
0xa0: {  	[sflag:s22] =	ssyncadd.s32 s4;
	_ =	sdelay $0x1  }
0xa1: {  	s23 =	simm.s32 $0x1B8B  }
0xa2: {  	_ =	swait.ge [sflag:s23], $0x1  }
0xa3: {  	[sflag:s23] =	ssyncset.done $0x0  }
0xa4: {  	s25 =	simm.s32 $0x1B8E;
	s24 =	sld [smem:$0x3FFE];
	[sflag:s23] =	ssyncadd.s32 $0xFFFFFFFF  }
0xa5: {  	s26 =	simm.s32 $execute0_lowered;
	[smem:$0x3FD2] =	sst s25  }
0xa6: {  	s5 =	sshll.u32 s26, $0x1;
	_ =	strace $0x80000046;
	[dreg:$0x1] =	wrdreg $0xFFFFFFFF  }
0xa7: {  	s28 =	simm.s32 $_size_execute0_lowered;
	s3 =	sadd.s32 s3, s5;
	[dreg:$0x0] =	wrdreg $0x0  }
0xa8: {  	s5 =	sshll.u32 s28, $0x1;
	[dreg:$0x2] =	wrdreg s3  }
0xa9: {  	[dreg:$0x3] =	wrdreg s5  }
0xaa: {  	[dreg:$0x4] =	wrdreg $0xC0  }
0xab: {  	_ =	task [dreg:s7], $0x5FFFF  }
0xac: {  	[dreg:$0x1] =	wrdreg $0xFFFFFFFF  }
0xad: {  	[dreg:$0x0] =	wrdreg $0x60  }
0xae: {  	[dreg:$0x2] =	wrdreg s2  }
0xaf: {  	[dreg:$0x3] =	wrdreg s24  }
0xb0: {  	[dreg:$0x4] =	wrdreg $0x9  }
0xb1: {  	_ =	task.clear_ibuf [dreg:s7], $0x5FFFF;
	_ =	strace $0x90000046  }
0xb2: {  	s29 =	simm.s32 $0x9;
	_ =	strace $0x80000048  }
0xb3: {  	_ =	swait.ge [sflag:s29], $0x1  }
0xb4: {  	[sflag:s29] =	ssyncadd.s32 $0xFFFFFFFF  }
0xb5: {  	_ =	strace $0x90000048  }
0xb6: {  	_ =	sfence  }
0xb7: {  	s30 =	sld [smem:$0x0];
	_ =	sdelay $0x2  }
0xb8: {  	s31 =	sshll.u32 s1, $0xD;
	s1 =	sshrl.u32 s1, $0x2  }
0xb9: {  	s3 =	sand.u32 $0x4000, s31;
	s1 =	sadd.s32 s1, s30  }
0xba: {  	s0 =	sor.u32 s3, s0;
	s1 =	sshll.u32 s1, $0x11  }
0xbb: {  	s0 =	sor.u32 s1, s0  }
0xbc: {  	s0 =	sadd.s32 $0x8F2B, s0  }
0xbd: {  	[sflag:s0] =	ssyncadd.remote.s32 $0x1  }
0xbe: {  	_ =	sfence.sel $0xFFFF  }
0xbf: {  	[dreg:$0x0] =	wrdreg $0xFFFFFFFF;
	(pc) =	sbr.abs _section_cstart, $3  }
0xc0: {  	[dreg:$0x1] =	wrdreg $0xFFFFFFFF  }
0xc1: {  	_ =	task.clear_ibuf [dreg:s7], $0x2FFFF;
	_ =	strace $0x9FFFFFFF  }
0xc2: {  	(tm) =	ssettm $0x7FFFFFFF  }
0xc3: {  	_ =	shalt  }
tec
execute0_lowered:
.L_overlay_start_1:
0x0: {  	(tag) =	ssettag $0x1  }
0x1: {  	v0 =	vimm.s32 $0x4380;
	vm0 =	vcmask $0x300  }
0x2: {  	vm14 =	vcmask $0x704;
	v0 =	vsel vm0, $0x0, v0  }
0x3: {  	vm15 =	vcmask $0xB08;
	v0 =	vsel vm14, $0x80, v0  }
0x4: {  	vm4 =	vcmask $0xF0C;
	v0 =	vsel vm15, $0x100, v0  }
0x5: {  	vm5 =	vcmask $0x1310;
	v0 =	vsel vm4, $0x180, v0  }
0x6: {  	vm6 =	vcmask $0x1714;
	v0 =	vsel vm5, $0x200, v0  }
0x7: {  	vm7 =	vcmask $0x1B18;
	v0 =	vsel vm6, $0x280, v0  }
0x8: {  	vm8 =	vcmask $0x1F1C;
	s2 =	srdreg.scid;
	s1 =	rddreg [dreg:$0x0];
	v0 =	vsel vm7, $0x300, v0  }
0x9: {  	vm9 =	vcmask $0x2320;
	s0 =	stileid.u32;
	s5 =	rddreg [dreg:$0x1];
	s9 =	simm.s32 $0x8000;
	v0 =	vsel vm8, $0x380, v0  }
0xa: {  	vm10 =	vcmask $0x2724;
	s10 =	simm.s32 $0x10100;
	s11 =	simm.s32 $0x19280;
	s12 =	simm.s32 $0x0;
	v0 =	vsel vm9, $0x4000, v0  }
0xb: {  	vm11 =	vcmask $0x2B28;
	s4 =	sand.u32 $0x1, s2;
	s3 =	sshll.u32 s0, $0x7;
	s2 =	rddreg [dreg:$0x2];
	v0 =	vsel vm10, $0x4080, v0  }
.Ltmp0:
0xc: {  	vm12 =	vcmask $0x2F2C;
	vm13 =	vcmask $0x3330;
	s6 =	sshll.u32 s4, $0x6;
	s31 =	ssub.s32 $0x2, s4;
	v0 =	vsel vm11, $0x4100, v0;
	(pc) =	sbr.rel .LBB2_1-.Ltmp0, $4  }
0xd: {  	v4 =	vimm.s32 $0x40;
	s4 =	simm.s32 $0x0;
	vm14 =	vcmask $0x3734;
	s3 =	sor.u32 s6, s3;
	s8 =	sshrl.u32 s31, $0x1;
	v0 =	vsel vm12, $0x4180, v0  }
0xe: {  	[smem:$0x7FF] =	sst s4;
	vm15 =	vcmask $0x3B38;
	s7 =	sshrl.u32 s3, $0x3;
	s6 =	ssub.s32 s31, s8;
	v1 =	vsel vm13, $0x4200, v0;
	v0 =	vlaneseq.u32  }
0xf: {  	_ =	strace $0x80000047;
	s8 =	simm.s32 $0x18200;
	s5 =	sadd.s32 s7, s5;
	v2 =	vsel vm14, $0x4280, v1;
	v1 =	vimm.s32 $0x0;
	v3 =	vmul.u32 $0x101, v0  }
0x10: {  	s6 =	smax.u32 s6, $0x1;
	s7 =	simm.s32 $0x1;
	s5 =	sadd.s32 $0xA00, s5;
	v5 =	vmul.u32 $0x809, v0;
	v6 =	vmul.u32 $0x11, v0;
	v2 =	vsel vm15, $0x4300, v2  }
.LBB2_32:
0x11: {  	s12 =	sadd.s32 $0x1, s12  }
0x12: {  	p0 =	sne.s32 s12, s6  }
.Ltmp1:
0x13: {  	_ = 	snop;
	(pc) =	sbr.rel @!p0 .LBB2_33-.Ltmp1, $4  }
0x14: {  	[hbm4b:s5+s4] =	stream.linear.scatter [tilespmem:s11], [sflag:$0x1], $0x40, $0x38;
	[tilespmem:$0x19300] =	vst v63  }
0x15: {  	_ =	swait.ge [sflag:s7], $0x40  }
0x16: {  	[sflag:s7] =	ssyncset.done $0x0  }
0x17: {  	[sflag:s7] =	ssyncadd.s32 $0xFFFFFFC0  }
.LBB2_1:
0x18: {  	s13 =	simm.s32 $0x18220  }
0x19: {  	[tilespmem:s13+$0xFFFFFFE0] =	vst v1  }
0x1a: {  	[tilespmem:s13+$0x10] =	vst v1  }
0x1b: {  	s14 =	simm.s32 $0x0;
	[tilespmem:s13+$0x0] =	vst v1  }
.LBB2_2:
0x1c: {  	s14 =	sadd.s32 $0x4, s14  }
0x1d: {  	[tilespmem:s13+$0xFFFFFFF0] =	vst v1;
	s13 =	sadd.s32 $0x40, s13;
	p0 =	slt.u32 s14, $0xFC  }
.Ltmp2:
0x1e: {  	[tilespmem:s13+$0xFFFFFFE0] =	vst v1;
	(pc) =	sbr.rel @p0 .LBB2_2-.Ltmp2, $3  }
0x1f: {  	_ =	sdelay $0x1  }
0x20: {  	[tilespmem:s13+$0x10] =	vst v1  }
0x21: {  	[tilespmem:s13+$0x0] =	vst v1  }
0x22: {  	[tilespmem:s13+$0xFFFFFFF0] =	vst v1;
	s13 =	simm.s32 $0x0;
	s14 =	simm.s32 $0x0  }
.LBB2_4:
0x23: {  	p0 =	sne.s32 s14, $0x40  }
.Ltmp3:
0x24: {  	_ = 	snop;
	(pc) =	sbr.rel @p0 .LBB2_4-.Ltmp3, $3  }
0x25: {  	_ =	sdelay $0x1  }
0x26: {  	s15 =	sshra.s32 s14, $0x2  }
0x27: {  	s14 =	sadd.s32 $0x40, s14;
	[tilespmem:s15+$0x19200] =	vst v1  }
.Ltmp4:
0x28: {  	_ = 	snop;
	(pc) =	sbr.rel .LBB2_5-.Ltmp4, $1  }
0x29: {  	_ =	sdelay $0x3  }
.LBB2_31:
0x2a: {  	s13 =	sadd.s32 $0x1, s13  }
0x2b: {  	p0 =	sne.s32 s13, $0x4  }
.Ltmp5:
0x2c: {  	_ = 	snop;
	(pc) =	sbr.rel @!p0 .LBB2_32-.Ltmp5, $4  }
0x2d: {  	_ = 	snop  }
0x2e: {  	v7 =	vshll.u32 v7, $0x17  }
0x2f: {  	v7 =	vadd.s32 v7, v8  }
0x30: {  	[tilespmem:s14+$0x19280] =	vst v7  }
.LBB2_5:
0x31: {  	s15 =	simm.s32 $0x0;
	s14 =	simm.s32 $0x1  }
0x32: {  	s16 =	simm.s32 $0x2;
	s19 =	simm.s32 $0x3;
	s17 =	simm.s32 $0x4;
	v7 =	vadd.s32 s15, v0;
	v8 =	vadd.s32 s14, v0  }
0x33: {  	s20 =	simm.s32 $0x5;
	s21 =	simm.s32 $0x6;
	s22 =	simm.s32 $0x7;
	v9 =	vadd.s32 s16, v0;
	v10 =	vadd.s32 s19, v0;
	v11 =	vadd.s32 s17, v0  }
0x34: {  	v13 =	vadd.s32 s20, v0;
	v14 =	vadd.s32 s21, v0;
	v20 =	vadd.s32 s22, v0  }
0x35: {  	v12 =	vand.u32 $0x7F, v8;
	v15 =	vand.u32 $0x7F, v9;
	v16 =	vand.u32 $0x7F, v10  }
0x36: {  	v17 =	vand.u32 $0x7F, v11;
	v18 =	vand.u32 $0x7F, v13;
	v8 =	vshll.u32 v8, $0x3  }
0x37: {  	s14 =	sshll.u32 s13, $0x4;
	v9 =	vshll.u32 v9, $0x3;
	v10 =	vshll.u32 v10, $0x3;
	v11 =	vshll.u32 v11, $0x3  }
0x38: {  	v13 =	vshll.u32 v13, $0x3;
	s23 =	sadd.s32 s3, s14;
	v21 =	vshll.u32 v20, $0x3;
	v8 =	vand.u32 $0x3C00, v8  }
0x39: {  	s16 =	sshll.u32 s23, $0x8;
	v9 =	vand.u32 $0x3C00, v9;
	v8 =	vor.u32 v8, v12;
	v12 =	vand.u32 $0x7F, v20  }
0x3a: {  	v20 =	vand.u32 $0x3C00, v21;
	s16 =	sadd.s32 s1, s16;
	v9 =	vor.u32 v9, v15;
	v8 =	vor.u32 v2, v8  }
0x3b: {  	v10 =	vand.u32 $0x3C00, v10;
	v12 =	vor.u32 v20, v12;
	[tilespmem:s15], [sflag:$0x1] =	stream.linear.gather [hbm4b:s16+s15], $0x8000, $0x38;
	v9 =	vor.u32 v2, v9;
	[tilespmem:$0x19300] =	vst v63  }
0x3c: {  	v11 =	vand.u32 $0x3C00, v11;
	v10 =	vor.u32 v10, v16;
	v12 =	vor.u32 v2, v12;
	_ =	swait.ge [sflag:s7], $0x8000  }
0x3d: {  	s25 =	simm.s32 $0x9;
	v13 =	vand.u32 $0x3C00, v13;
	v11 =	vor.u32 v11, v17;
	v10 =	vor.u32 v2, v10;
	[sflag:s7] =	ssyncset.done $0x0  }
0x3e: {  	v23 =	vadd.s32 s25, v0;
	v13 =	vor.u32 v13, v18;
	v11 =	vor.u32 v2, v11;
	[sflag:s7] =	ssyncadd.s32 $0xFFFF8000  }
0x3f: {  	s26 =	simm.s32 $0xA;
	v19 =	vand.u32 $0x7F, v14;
	v14 =	vshll.u32 v14, $0x3;
	v13 =	vor.u32 v2, v13;
	v18 =	vld.idx.msk [tilespmem:v8+s4+$0x0], $0xffff  }
0x40: {  	v24 =	vadd.s32 s26, v0;
	v14 =	vand.u32 $0x3C00, v14;
	v15 =	vshll.u32 v7, $0x3;
	v21 =	vld.idx.msk [tilespmem:v9+s4+$0x0], $0xffff  }
0x41: {  	s28 =	simm.s32 $0xB;
	v7 =	vand.u32 $0x7F, v7;
	v8 =	vor.u32 v14, v19;
	v14 =	vand.u32 $0x3C00, v15;
	v20 =	vld.idx.msk [tilespmem:v12+s4+$0x0], $0xffff  }
0x42: {  	s30 =	simm.s32 $0xD;
	s31 =	simm.s32 $0xE;
	v26 =	vadd.s32 s28, v0;
	v22 =	vld.idx.msk [tilespmem:v10+s4+$0x0], $0xffff;
	v19 =	vor.u32 v2, v8;
	v7 =	vor.u32 v14, v7  }
0x43: {  	s29 =	simm.s32 $0xC;
	v17 =	vadd.s32 s30, v0;
	v16 =	vadd.s32 s31, v0;
	v25 =	vld.idx.msk [tilespmem:v11+s4+$0x0], $0xffff;
	v7 =	vor.u32 v2, v7  }
0x44: {  	s24 =	simm.s32 $0x8;
	v15 =	vadd.s32 s29, v0;
	v27 =	vld.idx.msk [tilespmem:v13+s4+$0x0], $0xffff;
	v13 =	vand.u32 $0x7F, v24;
	v10 =	vand.u32 $0x7F, v17  }
0x45: {  	v9 =	vand.u32 $0x7F, v16;
	v24 =	vshll.u32 v24, $0x3;
	v8 =	vadd.s32 s24, v0  }
0x46: {  	v14 =	vand.u32 $0x7F, v23;
	v12 =	vand.u32 $0x7F, v26;
	v20 =	vand.u32 $0x7FFFFFFF, v20  }
0x47: {  	v18 =	vand.u32 $0x7FFFFFFF, v18;
	v21 =	vand.u32 $0x7FFFFFFF, v21;
	v19 =	vld.idx.msk [tilespmem:v19+s4+$0x0], $0xffff;
	v20 =	vshrl.u32 v20, $0x17  }
0x48: {  	v28 =	vld.idx.msk [tilespmem:v7+s4+$0x0], $0xffff;
	v7 =	vshrl.u32 v18, $0x17;
	v18 =	vand.u32 $0x7FFFFFFF, v22;
	v20 =	vadd.s32 v3, v20  }
0x49: {  	v29 =	vadd.s32 v3, v7;
	v7 =	vshrl.u32 v21, $0x17;
	v21 =	vand.u32 $0x7FFFFFFF, v25  }
0x4a: {  	v30 =	vadd.s32 v3, v7;
	v7 =	vshrl.u32 v18, $0x17;
	v18 =	vand.u32 $0x7FFFFFFF, v27  }
0x4b: {  	v21 =	vshrl.u32 v21, $0x17;
	v22 =	vadd.s32 v3, v7;
	v7 =	vimm.s32 $0x1  }
0x4c: {  	v18 =	vshrl.u32 v18, $0x17;
	v25 =	vand.u32 $0x7FFFFFFF, v19;
	v19 =	vadd.s32 v3, v21  }
0x4d: {  	v18 =	vadd.s32 v3, v18;
	v21 =	vand.u32 $0x7FFFFFFF, v28;
	v27 =	vshrl.u32 v25, $0x17;
	[tilespmem:v20+s8+$0x0] =	vst.idx.add.s32.msk $0xffff, v7  }
0x4e: {  	v11 =	vand.u32 $0x7F, v15;
	v21 =	vshrl.u32 v21, $0x17;
	[tilespmem:v29+s8+$0x0] =	vst.idx.add.s32.msk $0xffff, v7;
	v20 =	vadd.s32 v3, v27  }
0x4f: {  	s16 =	simm.s32 $0xF;
	s15 =	simm.s32 $0x10;
	v25 =	vshll.u32 v23, $0x3;
	v23 =	vshll.u32 v26, $0x3;
	v21 =	vadd.s32 v3, v21;
	[tilespmem:v30+s8+$0x0] =	vst.idx.add.s32.msk $0xffff, v7  }
.LBB2_6:
0x50: {  	p0 =	slt.u32 s15, $0x7F8;
	v15 =	vshll.u32 v15, $0x3;
	v17 =	vshll.u32 v17, $0x3;
	v26 =	vadd.s32 s16, v0;
	[tilespmem:v22+s8+$0x0] =	vst.idx.add.s32.msk $0xffff, v7  }
0x51: {  	v22 =	vand.u32 $0x3C00, v25;
	v16 =	vshll.u32 v16, $0x3;
	v25 =	vshll.u32 v26, $0x3;
	[tilespmem:v19+s8+$0x0] =	vst.idx.add.s32.msk $0xffff, v7  }
0x52: {  	v14 =	vor.u32 v22, v14;
	v19 =	vand.u32 $0x7F, v26;
	v22 =	vand.u32 $0x3C00, v25;
	[tilespmem:v18+s8+$0x0] =	vst.idx.add.s32.msk $0xffff, v7  }
0x53: {  	v14 =	vor.u32 v2, v14;
	v18 =	vand.u32 $0x3C00, v24;
	v19 =	vor.u32 v22, v19;
	[tilespmem:v20+s8+$0x0] =	vst.idx.add.s32.msk $0xffff, v7  }
0x54: {  	v13 =	vor.u32 v18, v13;
	v18 =	vand.u32 $0x3C00, v23;
	v19 =	vor.u32 v2, v19;
	[tilespmem:v21+s8+$0x0] =	vst.idx.add.s32.msk $0xffff, v7  }
0x55: {  	v15 =	vand.u32 $0x3C00, v15;
	v13 =	vor.u32 v2, v13;
	v12 =	vor.u32 v18, v12  }
0x56: {  	v11 =	vor.u32 v15, v11;
	v15 =	vand.u32 $0x3C00, v17;
	v12 =	vor.u32 v2, v12  }
0x57: {  	v11 =	vor.u32 v2, v11;
	v10 =	vor.u32 v15, v10;
	v15 =	vand.u32 $0x3C00, v16  }
0x58: {  	v16 =	vshll.u32 v8, $0x3;
	v10 =	vor.u32 v2, v10;
	v9 =	vor.u32 v15, v9;
	v18 =	vld.idx.msk [tilespmem:v14+s4+$0x0], $0xffff  }
0x59: {  	v8 =	vand.u32 $0x7F, v8;
	v9 =	vor.u32 v2, v9;
	v14 =	vand.u32 $0x3C00, v16;
	v19 =	vld.idx.msk [tilespmem:v19+s4+$0x0], $0xffff  }
0x5a: {  	s16 =	sadd.s32 $0x1, s15;
	v14 =	vor.u32 v14, v8;
	v20 =	vld.idx.msk [tilespmem:v13+s4+$0x0], $0xffff  }
0x5b: {  	s17 =	sadd.s32 $0x3, s15;
	s18 =	sadd.s32 $0x4, s15;
	v21 =	vadd.s32 s16, v0;
	s16 =	sadd.s32 $0x2, s15;
	v8 =	vadd.s32 s15, v0;
	v22 =	vor.u32 v2, v14;
	v23 =	vld.idx.msk [tilespmem:v12+s4+$0x0], $0xffff  }
0x5c: {  	v26 =	vadd.s32 s17, v0;
	s17 =	sadd.s32 $0x6, s15;
	v15 =	vadd.s32 s18, v0;
	v24 =	vadd.s32 s16, v0;
	s16 =	sadd.s32 $0x5, s15;
	v25 =	vld.idx.msk [tilespmem:v11+s4+$0x0], $0xffff  }
0x5d: {  	v17 =	vadd.s32 s16, v0;
	v16 =	vadd.s32 s17, v0;
	v14 =	vand.u32 $0x7F, v21;
	v27 =	vld.idx.msk [tilespmem:v10+s4+$0x0], $0xffff  }
0x5e: {  	v13 =	vand.u32 $0x7F, v24;
	v12 =	vand.u32 $0x7F, v26;
	v11 =	vand.u32 $0x7F, v15;
	v28 =	vld.idx.msk [tilespmem:v9+s4+$0x0], $0xffff  }
0x5f: {  	v10 =	vand.u32 $0x7F, v17;
	v9 =	vand.u32 $0x7F, v16;
	v19 =	vand.u32 $0x7FFFFFFF, v19  }
0x60: {  	v18 =	vand.u32 $0x7FFFFFFF, v18;
	v20 =	vand.u32 $0x7FFFFFFF, v20;
	v19 =	vshrl.u32 v19, $0x17;
	v29 =	vld.idx.msk [tilespmem:v22+s4+$0x0], $0xffff  }
0x61: {  	v18 =	vshrl.u32 v18, $0x17;
	v22 =	vand.u32 $0x7FFFFFFF, v23;
	v23 =	vadd.s32 v3, v19  }
0x62: {  	v30 =	vadd.s32 v3, v18;
	v18 =	vshrl.u32 v20, $0x17;
	v19 =	vand.u32 $0x7FFFFFFF, v25  }
0x63: {  	v31 =	vadd.s32 v3, v18;
	v18 =	vshrl.u32 v22, $0x17;
	v20 =	vand.u32 $0x7FFFFFFF, v27  }
.Ltmp6:
0x64: {  	v22 =	vadd.s32 v3, v18;
	v18 =	vshrl.u32 v19, $0x17;
	v25 =	vand.u32 $0x7FFFFFFF, v28;
	(pc) =	sbr.rel @p0 .LBB2_6-.Ltmp6, $4  }
0x65: {  	v19 =	vadd.s32 v3, v18;
	v18 =	vshrl.u32 v20, $0x17  }
0x66: {  	v18 =	vadd.s32 v3, v18;
	v27 =	vshrl.u32 v25, $0x17;
	v20 =	vand.u32 $0x7FFFFFFF, v29;
	[tilespmem:v23+s8+$0x0] =	vst.idx.add.s32.msk $0xffff, v7  }
0x67: {  	v25 =	vshll.u32 v21, $0x3;
	v21 =	vshrl.u32 v20, $0x17;
	v20 =	vadd.s32 v3, v27;
	[tilespmem:v30+s8+$0x0] =	vst.idx.add.s32.msk $0xffff, v7  }
0x68: {  	s16 =	sadd.s32 $0x7, s15;
	s15 =	sadd.s32 $0x8, s15;
	v24 =	vshll.u32 v24, $0x3;
	v23 =	vshll.u32 v26, $0x3;
	v21 =	vadd.s32 v3, v21;
	[tilespmem:v31+s8+$0x0] =	vst.idx.add.s32.msk $0xffff, v7  }
0x69: {  	v15 =	vshll.u32 v15, $0x3;
	v26 =	vadd.s32 s16, v0  }
0x6a: {  	v25 =	vand.u32 $0x3C00, v25;
	v17 =	vshll.u32 v17, $0x3;
	v16 =	vshll.u32 v16, $0x3  }
0x6b: {  	v24 =	vand.u32 $0x3C00, v24;
	v23 =	vand.u32 $0x3C00, v23;
	v62 =	vshll.u32 v8, $0x3  }
0x6c: {  	v8 =	vand.u32 $0x7F, v8;
	v14 =	vor.u32 v25, v14;
	v60 =	vshll.u32 v26, $0x3  }
0x6d: {  	[tilespmem:v22+s8+$0x0] =	vst.idx.add.s32.msk $0xffff, v7;
	v26 =	vand.u32 $0x7F, v26;
	v13 =	vor.u32 v24, v13;
	v14 =	vor.u32 v2, v14  }
0x6e: {  	[tilespmem:v19+s8+$0x0] =	vst.idx.add.s32.msk $0xffff, v7;
	v12 =	vor.u32 v23, v12;
	v15 =	vand.u32 $0x3C00, v15;
	v13 =	vor.u32 v2, v13  }
0x6f: {  	[tilespmem:v18+s8+$0x0] =	vst.idx.add.s32.msk $0xffff, v7;
	v25 =	vand.u32 $0x3C00, v60;
	v12 =	vor.u32 v2, v12;
	v11 =	vor.u32 v15, v11  }
0x70: {  	[tilespmem:v20+s8+$0x0] =	vst.idx.add.s32.msk $0xffff, v7;
	v15 =	vand.u32 $0x3C00, v17;
	v25 =	vor.u32 v25, v26;
	v11 =	vor.u32 v2, v11  }
0x71: {  	[tilespmem:v21+s8+$0x0] =	vst.idx.add.s32.msk $0xffff, v7;
	v10 =	vor.u32 v15, v10;
	v15 =	vand.u32 $0x3C00, v16;
	v61 =	vor.u32 v2, v25  }
0x72: {  	v10 =	vor.u32 v2, v10;
	v9 =	vor.u32 v15, v9;
	v15 =	vand.u32 $0x3C00, v62;
	v14 =	vld.idx.msk [tilespmem:v14+s4+$0x0], $0xffff  }
0x73: {  	v9 =	vor.u32 v2, v9;
	v8 =	vor.u32 v15, v8;
	v13 =	vld.idx.msk [tilespmem:v13+s4+$0x0], $0xffff  }
0x74: {  	v8 =	vor.u32 v2, v8;
	v12 =	vld.idx.msk [tilespmem:v12+s4+$0x0], $0xffff  }
0x75: {  	v11 =	vld.idx.msk [tilespmem:v11+s4+$0x0], $0xffff  }
0x76: {  	v63 =	vld.idx.msk [tilespmem:v61+s4+$0x0], $0xffff  }
0x77: {  	v10 =	vld.idx.msk [tilespmem:v10+s4+$0x0], $0xffff;
	v14 =	vand.u32 $0x7FFFFFFF, v14  }
0x78: {  	v7 =	vimm.s32 $0x1;
	v9 =	vld.idx.msk [tilespmem:v9+s4+$0x0], $0xffff;
	v13 =	vand.u32 $0x7FFFFFFF, v13;
	v14 =	vshrl.u32 v14, $0x17  }
0x79: {  	v8 =	vld.idx.msk [tilespmem:v8+s4+$0x0], $0xffff;
	v12 =	vand.u32 $0x7FFFFFFF, v12;
	v13 =	vshrl.u32 v13, $0x17;
	v14 =	vadd.s32 v3, v14  }
0x7a: {  	v11 =	vand.u32 $0x7FFFFFFF, v11;
	v12 =	vshrl.u32 v12, $0x17;
	v13 =	vadd.s32 v3, v13  }
0x7b: {  	v15 =	vand.u32 $0x7FFFFFFF, v63;
	v12 =	vadd.s32 v3, v12;
	v11 =	vshrl.u32 v11, $0x17  }
0x7c: {  	v10 =	vand.u32 $0x7FFFFFFF, v10;
	v15 =	vshrl.u32 v15, $0x17;
	v11 =	vadd.s32 v3, v11  }
0x7d: {  	v9 =	vand.u32 $0x7FFFFFFF, v9;
	v10 =	vshrl.u32 v10, $0x17;
	v15 =	vadd.s32 v3, v15  }
0x7e: {  	v8 =	vand.u32 $0x7FFFFFFF, v8;
	v10 =	vadd.s32 v3, v10;
	v9 =	vshrl.u32 v9, $0x17;
	[tilespmem:v14+s8+$0x0] =	vst.idx.add.s32.msk $0xffff, v7  }
0x7f: {  	v8 =	vshrl.u32 v8, $0x17;
	v9 =	vadd.s32 v3, v9;
	[tilespmem:v13+s8+$0x0] =	vst.idx.add.s32.msk $0xffff, v7  }
0x80: {  	s22 =	simm.s32 $0xFF;
	v8 =	vadd.s32 v3, v8;
	[tilespmem:v12+s8+$0x0] =	vst.idx.add.s32.msk $0xffff, v7  }
0x81: {  	s15 =	simm.s32 $0xFE;
	v13 =	vadd.s32 s22, v3;
	[tilespmem:v11+s8+$0x0] =	vst.idx.add.s32.msk $0xffff, v7  }
0x82: {  	s17 =	simm.s32 $0xFD;
	v11 =	vadd.s32 s15, v3;
	[tilespmem:v15+s8+$0x0] =	vst.idx.add.s32.msk $0xffff, v7  }
0x83: {  	p1 =	por $0x1, $0x1;
	v12 =	vadd.s32 s17, v3;
	[tilespmem:v10+s8+$0x0] =	vst.idx.add.s32.msk $0xffff, v7  }
.Ltmp7:
0x84: {  	[tilespmem:v9+s8+$0x0] =	vst.idx.add.s32.msk $0xffff, v7;
	(pc) =	sbr.rel @!p1 .LBB2_8-.Ltmp7, $4  }
0x85: {  	v9 =	vimm.s32 $0x0;
	[tilespmem:v8+s8+$0x0] =	vst.idx.add.s32.msk $0xffff, v7  }
0x86: {  	v8 =	vld.idx.msk [tilespmem:v13+s8+$0x0], $0xffff;
	[tilespmem:v13+s8+$0x0] =	vst.idx.msk $0xffff, v9  }
0x87: {  	s16 =	simm.s32 $0xFC;
	v10 =	vld.idx.msk [tilespmem:v11+s8+$0x0], $0xffff;
	[tilespmem:v11+s8+$0x0] =	vst.idx.msk $0xffff, v9  }
0x88: {  	s18 =	simm.s32 $0xF8;
	p0 =	por $0x0, $0x0;
	v11 =	vadd.s32 s16, v3;
	v13 =	vld.idx.msk [tilespmem:v12+s8+$0x0], $0xffff  }
0x89: {  	_ =	sdelay $0x2  }
0x8a: {  	s19 =	simm.s32 $0xFB  }
0x8b: {  	[tilespmem:v12+s8+$0x0] =	vst.idx.msk $0xffff, v9;
	s20 =	simm.s32 $0xFA;
	vm0 =	vgt.s32 v4, v9;
	s21 =	simm.s32 $0xF9;
	v14 =	vadd.s32 s19, v3  }
0x8c: {  	v16 =	vld.idx.msk [tilespmem:v11+s8+$0x0], $0xffff;
	v19 =	vadd.s32 s20, v3;
	v12 =	vadd.s32 s21, v3;
	v20 =	vadd.s32 v9, v8  }
0x8d: {  	[tilespmem:v11+s8+$0x0] =	vst.idx.msk $0xffff, v9;
	v11 =	vadd.s32 s18, v3;
	vm1 =	vgt.s32 v20, $0x3F;
	v10 =	vadd.s32 v20, v10  }
0x8e: {  	p2 =	por $0x1, $0x1;
	vm2 =	vgt.s32 v4, v20;
	v20 =	vsub.s32 $0x40, v20;
	vm3 =	vmand vm0, vm1  }
.Ltmp8:
0x8f: {  	vm4 =	vgt.s32 v10, $0x3F;
	v13 =	vadd.s32 v10, v13;
	vm0 =	vgt.s32 v4, v10;
	(pc) =	sbr.rel @!p2 .LBB2_10-.Ltmp8, $4  }
0x90: {  	v15 =	vsub.s32 $0x40, v10;
	v18 =	vsel vm3, s22, v9;
	v8 =	vld.idx.msk [tilespmem:v14+s8+$0x0], $0xffff;
	[tilespmem:v14+s8+$0x0] =	vst.idx.msk $0xffff, v9;
	v14 =	vsub.s32 $0x40, v9  }
0x91: {  	vm1 =	vgt.s32 v13, $0x3F;
	vm2 =	vmand vm2, vm4;
	v17 =	vadd.s32 v13, v16  }
0x92: {  	vm1 =	vmand vm0, vm1;
	vm0 =	vgt.s32 v4, v13;
	v10 =	vld.idx.msk [tilespmem:v19+s8+$0x0], $0xffff;
	vm5 =	vgt.s32 v17, $0x3F;
	[tilespmem:v19+s8+$0x0] =	vst.idx.msk $0xffff, v9  }
0x93: {  	s23 =	simm.s32 $0xF4;
	p1 =	por $0x1, $0x1;
	s22 =	simm.s32 $0x4;
	v16 =	vsub.s32 $0x40, v13;
	v19 =	vsel vm3, v14, v7;
	vm0 =	vmand vm0, vm5;
	v13 =	vld.idx.msk [tilespmem:v12+s8+$0x0], $0xffff;
	v14 =	vmovc v17  }
.LBB2_11:
0x94: {  	s24 =	sadd.s32 $0x3, s23;
	s25 =	sadd.s32 $0x2, s23;
	s22 =	sadd.s32 $0x4, s22;
	vm3 =	vgt.s32 v4, v17;
	[tilespmem:v12+s8+$0x0] =	vst.idx.msk $0xffff, v9;
	v12 =	vsel vm2, s15, v18;
	v18 =	vsel vm2, v20, v19  }
0x95: {  	s15 =	smov.u32 s20;
	v19 =	vadd.s32 s24, v3;
	v20 =	vadd.s32 s25, v3;
	p2 =	slt.u32 s22, $0xFC;
	v21 =	vld.idx.msk [tilespmem:v11+s8+$0x0], $0xffff;
	v12 =	vsel vm1, s17, v12;
	s20 =	smov.u32 s25  }
0x96: {  	v22 =	vadd.s32 v17, v8;
	v8 =	vsel vm1, v15, v18;
	s17 =	smov.u32 s21;
	[tilespmem:v11+s8+$0x0] =	vst.idx.msk $0xffff, v9;
	v11 =	vsel vm0, s16, v12;
	s16 =	smov.u32 s18;
	s18 =	smov.u32 s23  }
0x97: {  	s21 =	sadd.s32 $0x1, s23;
	vm1 =	vgt.s32 v22, $0x3F;
	vm2 =	vgt.s32 v4, v22;
	v10 =	vadd.s32 v22, v10  }
0x98: {  	v12 =	vadd.s32 s21, v3;
	vm3 =	vmand vm3, vm1;
	vm4 =	vgt.s32 v10, $0x3F  }
0x99: {  	v23 =	vsel vm0, v16, v8;
	v18 =	vsel vm3, s19, v11;
	s19 =	smov.u32 s24;
	v13 =	vadd.s32 v10, v13  }
.Ltmp9:
0x9a: {  	vm0 =	vgt.s32 v4, v10;
	v15 =	vsub.s32 $0x40, v10;
	vm1 =	vgt.s32 v13, $0x3F;
	v8 =	vld.idx.msk [tilespmem:v19+s8+$0x0], $0xffff;
	(pc) =	sbr.rel @p2 .LBB2_11-.Ltmp9, $4  }
0x9b: {  	v11 =	vadd.s32 s23, v3;
	vm1 =	vmand vm0, vm1;
	v17 =	vadd.s32 v13, v21;
	[tilespmem:v19+s8+$0x0] =	vst.idx.msk $0xffff, v9  }
0x9c: {  	vm0 =	vgt.s32 v4, v13;
	vm5 =	vgt.s32 v17, $0x3F;
	v10 =	vld.idx.msk [tilespmem:v20+s8+$0x0], $0xffff  }
0x9d: {  	v16 =	vsub.s32 $0x40, v13;
	v19 =	vsub.s32 $0x40, v14;
	v14 =	vmovc v17;
	vm0 =	vmand vm0, vm5;
	[tilespmem:v20+s8+$0x0] =	vst.idx.msk $0xffff, v9  }
0x9e: {  	s23 =	sadd.s32 $0xFFFFFFFC, s23;
	vm2 =	vmand vm2, vm4;
	v19 =	vsel vm3, v19, v23;
	v20 =	vsub.s32 $0x40, v22;
	v13 =	vld.idx.msk [tilespmem:v12+s8+$0x0], $0xffff  }
0x9f: {  	s23 =	smov.u32 s15  }
0xa0: {  	s24 =	smov.u32 s17;
	s25 =	smov.u32 s16;
	s15 =	smov.u32 s20  }
0xa1: {  	s17 =	smov.u32 s21;
	s16 =	smov.u32 s18;
	s22 =	smov.u32 s19  }
.LBB2_13:
0xa2: {  	_ =	sdelay $0x3  }
0xa3: {  	v18 =	vsel @p1 vm2, s23, v18;
	vm3 =	vgt.s32 v4, v17;
	[tilespmem:v12+s8+$0x0] =	vst.idx.msk $0xffff, v9;
	v12 =	vsel @p1 vm2, v20, v19  }
0xa4: {  	v8 =	vadd.s32 v17, v8;
	v14 =	vsub.s32 $0x40, v14;
	v18 =	vsel @p1 vm1, s24, v18  }
0xa5: {  	s26 =	simm.s32 $0x6;
	v12 =	vsel @p1 vm1, v15, v12;
	vm9 =	vgt.s32 v8, $0x3F;
	v10 =	vadd.s32 v8, v10  }
0xa6: {  	s28 =	simm.s32 $0x7;
	s18 =	simm.s32 $0x3;
	s29 =	simm.s32 $0x4;
	vm10 =	vgt.s32 v4, v8;
	v8 =	vsub.s32 $0x40, v8;
	v59 =	vadd.s32 s26, v0  }
0xa7: {  	s30 =	simm.s32 $0x2;
	s31 =	simm.s32 $0x1;
	v60 =	vadd.s32 s28, v0;
	v61 =	vadd.s32 s18, v0;
	v62 =	vadd.s32 s29, v0  }
0xa8: {  	v63 =	vadd.s32 s30, v0;
	v33 =	vadd.s32 s31, v0;
	v15 =	vsel @p1 vm0, s25, v18  }
0xa9: {  	vm1 =	vmand vm3, vm9;
	vm11 =	vgt.s32 v10, $0x3F;
	v13 =	vadd.s32 v10, v13  }
0xaa: {  	s24 =	simm.s32 $0x0;
	v12 =	vsel @p1 vm0, v16, v12;
	vm12 =	vgt.s32 v4, v10;
	v10 =	vsub.s32 $0x40, v10  }
0xab: {  	v57 =	vadd.s32 s24, v0;
	v32 =	vand.u32 $0x7F, v60;
	v36 =	vshll.u32 v60, $0x3  }
0xac: {  	v34 =	vand.u32 $0x7F, v59;
	v38 =	vshll.u32 v59, $0x3;
	v28 =	vand.u32 $0x7F, v61  }
0xad: {  	v54 =	vld.idx.msk [tilespmem:v11+s8+$0x0], $0xffff;
	v31 =	vand.u32 $0x7F, v62;
	v27 =	vand.u32 $0x7F, v63;
	v35 =	vshll.u32 v61, $0x3  }
0xae: {  	v40 =	vshll.u32 v62, $0x3;
	v29 =	vand.u32 $0x7F, v33;
	v37 =	vshll.u32 v63, $0x3  }
0xaf: {  	s25 =	simm.s32 $0x5;
	v15 =	vpsel p1, v15, v9;
	vm4 =	vgt.s32 v13, $0x3F;
	vm13 =	vgt.s32 v4, v13  }
0xb0: {  	v7 =	vpsel p1, v12, v7;
	vm14 =	vmand vm10, vm11;
	v58 =	vadd.s32 s25, v0  }
0xb1: {  	p1 =	por $0x1, $0x1;
	v15 =	vsel vm1, s22, v15;
	vm0 =	vmand vm12, vm4;
	v7 =	vsel vm1, v14, v7  }
.Ltmp10:
0xb2: {  	v30 =	vand.u32 $0x7F, v58;
	v39 =	vshll.u32 v58, $0x3;
	v55 =	vadd.s32 v13, v54;
	(pc) =	sbr.rel @!p1 .LBB2_14-.Ltmp10, $4  }
0xb3: {  	v56 =	vsel vm14, s15, v15;
	v7 =	vsel vm14, v8, v7;
	vm5 =	vgt.s32 v55, $0x3F  }
0xb4: {  	v8 =	vsub.s32 $0x40, v13;
	v12 =	vsel vm0, s17, v56;
	vm15 =	vmand vm13, vm5  }
0xb5: {  	v10 =	vsel vm0, v10, v7;
	v7 =	vsel vm15, s16, v12;
	v12 =	vshll.u32 v57, $0x3  }
0xb6: {  	[tilespmem:v11+s8+$0x0] =	vst.idx.msk $0xffff, v9;
	s15 =	simm.s32 $0x8;
	v8 =	vsel vm15, v8, v10;
	v10 =	vand.u32 $0x7F, v57;
	v41 =	vand.u32 $0x3C00, v12  }
0xb7: {  	v10 =	vor.u32 v41, v10;
	v12 =	vand.u32 $0x3C00, v36  }
0xb8: {  	v13 =	vand.u32 $0x3C00, v38;
	v10 =	vor.u32 v2, v10;
	v12 =	vor.u32 v12, v32  }
0xb9: {  	v14 =	vand.u32 $0x3C00, v39;
	v13 =	vor.u32 v13, v34;
	v12 =	vor.u32 v2, v12  }
0xba: {  	v15 =	vand.u32 $0x3C00, v40;
	v14 =	vor.u32 v14, v30;
	v13 =	vor.u32 v2, v13  }
0xbb: {  	v16 =	vand.u32 $0x3C00, v35;
	v15 =	vor.u32 v15, v31;
	v14 =	vor.u32 v2, v14  }
0xbc: {  	v11 =	vshll.u32 v33, $0x3;
	s16 =	simm.s32 $0xE;
	v16 =	vor.u32 v16, v28;
	v15 =	vor.u32 v2, v15  }
0xbd: {  	v17 =	vand.u32 $0x3C00, v37;
	s18 =	simm.s32 $0xB;
	v28 =	vadd.s32 s16, v0;
	v16 =	vor.u32 v2, v16;
	v18 =	vld.idx.msk [tilespmem:v10+s4+$0x0], $0xffff  }
0xbe: {  	s19 =	simm.s32 $0xC;
	s30 =	simm.s32 $0xA;
	v61 =	vadd.s32 s18, v0;
	v10 =	vand.u32 $0x3C00, v11;
	v11 =	vor.u32 v17, v27;
	v17 =	vld.idx.msk [tilespmem:v12+s4+$0x0], $0xffff  }
0xbf: {  	s31 =	simm.s32 $0x9;
	v62 =	vadd.s32 s19, v0;
	v42 =	vadd.s32 s30, v0;
	v10 =	vor.u32 v10, v29;
	v19 =	vld.idx.msk [tilespmem:v13+s4+$0x0], $0xffff  }
0xc0: {  	v33 =	vadd.s32 s31, v0;
	v34 =	vand.u32 $0x7F, v28;
	v13 =	vld.idx.msk [tilespmem:v14+s4+$0x0], $0xffff;
	v10 =	vor.u32 v2, v10  }
0xc1: {  	v38 =	vshll.u32 v28, $0x3;
	v28 =	vand.u32 $0x7F, v61;
	v11 =	vor.u32 v2, v11;
	v20 =	vld.idx.msk [tilespmem:v15+s4+$0x0], $0xffff  }
0xc2: {  	s29 =	simm.s32 $0xD;
	v31 =	vand.u32 $0x7F, v62;
	v35 =	vshll.u32 v61, $0x3;
	v40 =	vshll.u32 v62, $0x3;
	v16 =	vld.idx.msk [tilespmem:v16+s4+$0x0], $0xffff  }
0xc3: {  	s17 =	simm.s32 $0xF;
	v37 =	vshll.u32 v42, $0x3;
	v27 =	vadd.s32 s29, v0;
	v12 =	vadd.s32 s15, v0  }
0xc4: {  	v29 =	vadd.s32 s17, v0;
	v39 =	vshll.u32 v27, $0x3;
	v63 =	vshll.u32 v12, $0x3  }
0xc5: {  	v32 =	vand.u32 $0x7F, v29;
	v36 =	vshll.u32 v29, $0x3;
	v29 =	vand.u32 $0x7F, v33;
	v21 =	vld.idx.msk [tilespmem:v10+s4+$0x0], $0xffff  }
0xc6: {  	v14 =	vld.idx.msk [tilespmem:v11+s4+$0x0], $0xffff;
	v11 =	vadd.s32 v5, v9;
	v13 =	vand.u32 $0x7FFFFFFF, v13;
	v15 =	vand.u32 $0x7FFFFFFF, v19  }
0xc7: {  	v17 =	vand.u32 $0x7FFFFFFF, v17;
	v16 =	vand.u32 $0x7FFFFFFF, v16;
	v19 =	vand.u32 $0x7FFFFFFF, v20  }
0xc8: {  	v10 =	vand.u32 $0x7F, v12;
	v12 =	vand.u32 $0x7FFFFFFF, v18;
	v26 =	vshrl.u32 v17, $0x17  }
0xc9: {  	v23 =	vshrl.u32 v19, $0x17;
	v24 =	vshrl.u32 v13, $0x17;
	v25 =	vshrl.u32 v15, $0x17  }
0xca: {  	v22 =	vshrl.u32 v16, $0x17;
	v20 =	vshrl.u32 v12, $0x17;
	v18 =	vand.u32 $0x7FFFFFFF, v21  }
0xcb: {  	vm0 =	veq.s32 v20, v7;
	v14 =	vand.u32 $0x7FFFFFFF, v14;
	v20 =	vshrl.u32 v18, $0x17  }
0xcc: {  	v21 =	vsel vm0, $0x1, v1;
	v30 =	vshrl.u32 v14, $0x17;
	vm1 =	veq.s32 v20, v7  }
0xcd: {  	vm2 =	veq.s32 v30, v7;
	v20 =	vadd.s32 v21, v9;
	v9 =	vsel vm1, $0x1, v1  }
0xce: {  	vm3 =	veq.s32 v22, v7;
	v21 =	vadd.s32 v9, v20;
	v9 =	vsel vm2, $0x1, v1  }
0xcf: {  	p1 =	por $0x1, $0x1;
	vm4 =	veq.s32 v23, v7;
	v22 =	vadd.s32 v9, v21;
	v9 =	vsel vm3, $0x1, v1  }
.Ltmp11:
0xd0: {  	vm5 =	veq.s32 v24, v7;
	v23 =	vadd.s32 v9, v22;
	v9 =	vsel vm4, $0x1, v1;
	(pc) =	sbr.rel @!p1 .LBB2_17-.Ltmp11, $4  }
0xd1: {  	vm6 =	veq.s32 v25, v7;
	v24 =	vadd.s32 v9, v23;
	v9 =	vsel vm5, $0x1, v1  }
0xd2: {  	vm7 =	veq.s32 v26, v7;
	v25 =	vadd.s32 v9, v24;
	v9 =	vsel vm6, $0x1, v1  }
0xd3: {  	v41 =	vand.u32 $0x3C00, v63;
	v26 =	vadd.s32 v9, v25;
	v9 =	vsel vm7, $0x1, v1  }
0xd4: {  	p0 =	por $0x1, $0x1;
	s15 =	simm.s32 $0x10;
	v30 =	vand.u32 $0x7F, v27;
	v27 =	vand.u32 $0x7F, v42;
	v9 =	vadd.s32 v9, v26  }
.LBB2_16:
0xd5: {  	p1 =	slt.u32 s15, $0x7F8;
	v10 =	vor.u32 v41, v10;
	v33 =	vshll.u32 v33, $0x3;
	v36 =	vand.u32 $0x3C00, v36  }
0xd6: {  	v38 =	vand.u32 $0x3C00, v38;
	v10 =	vor.u32 v2, v10;
	v32 =	vor.u32 v36, v32  }
0xd7: {  	v36 =	vand.u32 $0x3C00, v39;
	v34 =	vor.u32 v38, v34;
	v32 =	vor.u32 v2, v32  }
0xd8: {  	v38 =	vand.u32 $0x3C00, v40;
	v30 =	vor.u32 v36, v30;
	v34 =	vor.u32 v2, v34  }
0xd9: {  	v35 =	vand.u32 $0x3C00, v35;
	v31 =	vor.u32 v38, v31;
	v30 =	vor.u32 v2, v30  }
0xda: {  	v28 =	vor.u32 v35, v28;
	v36 =	vand.u32 $0x3C00, v37;
	v31 =	vor.u32 v2, v31  }
0xdb: {  	v28 =	vor.u32 v2, v28;
	v27 =	vor.u32 v36, v27;
	v35 =	vld.idx.msk [tilespmem:v10+s4+$0x0], $0xffff;
	v10 =	vand.u32 $0x3C00, v33  }
0xdc: {  	v26 =	vadd.s32 v5, v26;
	v27 =	vor.u32 v2, v27;
	v10 =	vor.u32 v10, v29;
	v29 =	vld.idx.msk [tilespmem:v32+s4+$0x0], $0xffff  }
0xdd: {  	v24 =	vadd.s32 v5, v24;
	v25 =	vadd.s32 v5, v25;
	v10 =	vor.u32 v2, v10;
	v32 =	vld.idx.msk [tilespmem:v34+s4+$0x0], $0xffff  }
0xde: {  	v21 =	vadd.s32 v5, v21;
	v22 =	vadd.s32 v5, v22;
	v23 =	vadd.s32 v5, v23;
	v30 =	vld.idx.msk [tilespmem:v30+s4+$0x0], $0xffff  }
0xdf: {  	v20 =	vadd.s32 v5, v20;
	v33 =	vand.u32 $0x7FFFFF, v18;
	v18 =	vand.u32 $0x7FFFFF, v14;
	v31 =	vld.idx.msk [tilespmem:v31+s4+$0x0], $0xffff  }
0xe0: {  	v13 =	vand.u32 $0x7FFFFF, v13;
	v14 =	vand.u32 $0x7FFFFF, v16;
	v16 =	vand.u32 $0x7FFFFF, v19;
	v28 =	vld.idx.msk [tilespmem:v28+s4+$0x0], $0xffff  }
0xe1: {  	v19 =	vld.idx.msk [tilespmem:v27+s4+$0x0], $0xffff;
	v27 =	vand.u32 $0x7FFFFF, v12;
	v12 =	vand.u32 $0x7FFFFF, v15;
	v15 =	vand.u32 $0x7FFFFF, v17  }
0xe2: {  	s16 =	sadd.s32 $0x5, s15;
	s17 =	sadd.s32 $0x6, s15;
	s18 =	sadd.s32 $0x7, s15;
	v34 =	vadd.s32 v5, v9;
	v17 =	vadd.s32 s15, v0;
	v36 =	vld.idx.msk [tilespmem:v10+s4+$0x0], $0xffff;
	[tilespmem:v26+s9+$0x0] =	vst.idx.msk vm7, v15  }
0xe3: {  	s19 =	sadd.s32 $0x3, s15;
	s20 =	sadd.s32 $0x4, s15;
	v39 =	vadd.s32 s18, v0;
	v37 =	vadd.s32 s16, v0;
	v38 =	vadd.s32 s17, v0;
	[tilespmem:v25+s9+$0x0] =	vst.idx.msk vm6, v12  }
0xe4: {  	v40 =	vadd.s32 s19, v0;
	v41 =	vadd.s32 s20, v0;
	s16 =	sadd.s32 $0x2, s15;
	v10 =	vand.u32 $0x7F, v17;
	[tilespmem:v24+s9+$0x0] =	vst.idx.msk vm5, v13  }
0xe5: {  	v43 =	vadd.s32 s16, v0;
	v42 =	vshll.u32 v17, $0x3;
	v12 =	vand.u32 $0x7FFFFFFF, v35;
	[tilespmem:v23+s9+$0x0] =	vst.idx.msk vm4, v16  }
0xe6: {  	v15 =	vand.u32 $0x7FFFFFFF, v32;
	v17 =	vand.u32 $0x7FFFFFFF, v29;
	v13 =	vand.u32 $0x7FFFFFFF, v30;
	[tilespmem:v22+s9+$0x0] =	vst.idx.msk vm3, v14  }
0xe7: {  	v16 =	vand.u32 $0x7FFFFFFF, v28;
	v14 =	vand.u32 $0x7FFFFFFF, v19;
	v19 =	vand.u32 $0x7FFFFFFF, v31;
	[tilespmem:v21+s9+$0x0] =	vst.idx.msk vm2, v18  }
0xe8: {  	v26 =	vshrl.u32 v17, $0x17;
	v21 =	vshrl.u32 v12, $0x17;
	v18 =	vand.u32 $0x7FFFFFFF, v36;
	[tilespmem:v20+s9+$0x0] =	vst.idx.msk vm1, v33  }
0xe9: {  	v25 =	vshrl.u32 v15, $0x17;
	v24 =	vshrl.u32 v13, $0x17;
	v23 =	vshrl.u32 v19, $0x17;
	[tilespmem:v11+s9+$0x0] =	vst.idx.msk vm0, v27;
	v11 =	vmovc v34  }
0xea: {  	v22 =	vshrl.u32 v16, $0x17;
	v20 =	vshrl.u32 v18, $0x17;
	vm0 =	veq.s32 v21, v7  }
0xeb: {  	vm1 =	veq.s32 v20, v7;
	v27 =	vshrl.u32 v14, $0x17;
	v21 =	vsel vm0, $0x1, v1  }
0xec: {  	vm2 =	veq.s32 v27, v7;
	v20 =	vadd.s32 v21, v9;
	v9 =	vsel vm1, $0x1, v1  }
0xed: {  	vm3 =	veq.s32 v22, v7;
	v21 =	vadd.s32 v9, v20;
	v9 =	vsel vm2, $0x1, v1  }
0xee: {  	vm4 =	veq.s32 v23, v7;
	v22 =	vadd.s32 v9, v21;
	v9 =	vsel vm3, $0x1, v1  }
0xef: {  	vm5 =	veq.s32 v24, v7;
	v23 =	vadd.s32 v9, v22;
	v9 =	vsel vm4, $0x1, v1  }
0xf0: {  	vm6 =	veq.s32 v25, v7;
	v24 =	vadd.s32 v9, v23;
	v9 =	vsel vm5, $0x1, v1  }
0xf1: {  	s16 =	sadd.s32 $0x1, s15;
	vm7 =	veq.s32 v26, v7;
	v25 =	vadd.s32 v9, v24;
	v9 =	vsel vm6, $0x1, v1  }
0xf2: {  	v33 =	vadd.s32 s16, v0;
	v26 =	vadd.s32 v9, v25;
	v9 =	vsel vm7, $0x1, v1  }
.Ltmp12:
0xf3: {  	v32 =	vand.u32 $0x7F, v39;
	v36 =	vshll.u32 v39, $0x3;
	v9 =	vadd.s32 v9, v26;
	(pc) =	sbr.rel @p1 .LBB2_16-.Ltmp12, $4  }
0xf4: {  	v30 =	vand.u32 $0x7F, v37;
	v34 =	vand.u32 $0x7F, v38;
	v38 =	vshll.u32 v38, $0x3  }
0xf5: {  	v28 =	vand.u32 $0x7F, v40;
	v31 =	vand.u32 $0x7F, v41;
	v39 =	vshll.u32 v37, $0x3  }
0xf6: {  	v35 =	vshll.u32 v40, $0x3;
	v40 =	vshll.u32 v41, $0x3;
	v27 =	vand.u32 $0x7F, v43  }
0xf7: {  	s15 =	sadd.s32 $0x8, s15;
	v41 =	vand.u32 $0x3C00, v42;
	v37 =	vshll.u32 v43, $0x3;
	v29 =	vand.u32 $0x7F, v33  }
.LBB2_17:
0xf8: {  	v10 =	vor.u32 v41, v10;
	v33 =	vshll.u32 v33, $0x3;
	v36 =	vand.u32 $0x3C00, v36  }
0xf9: {  	v38 =	vand.u32 $0x3C00, v38;
	v10 =	vor.u32 v2, v10;
	v32 =	vor.u32 v36, v32  }
0xfa: {  	v55 =	vand.u32 $0x3C00, v39;
	v34 =	vor.u32 v38, v34;
	v32 =	vor.u32 v2, v32  }
0xfb: {  	v56 =	vand.u32 $0x3C00, v40;
	v30 =	vor.u32 v55, v30;
	v34 =	vor.u32 v2, v34  }
0xfc: {  	v35 =	vand.u32 $0x3C00, v35;
	v31 =	vor.u32 v56, v31;
	v30 =	vor.u32 v2, v30  }
0xfd: {  	v57 =	vand.u32 $0x3C00, v37;
	v28 =	vor.u32 v35, v28;
	v31 =	vor.u32 v2, v31  }
0xfe: {  	v33 =	vand.u32 $0x3C00, v33;
	v27 =	vor.u32 v57, v27;
	v28 =	vor.u32 v2, v28;
	v10 =	vld.idx.msk [tilespmem:v10+s4+$0x0], $0xffff  }
0xff: {  	v29 =	vor.u32 v33, v29;
	v27 =	vor.u32 v2, v27;
	v32 =	vld.idx.msk [tilespmem:v32+s4+$0x0], $0xffff  }
0x100: {  	v29 =	vor.u32 v2, v29;
	v58 =	vld.idx.msk [tilespmem:v34+s4+$0x0], $0xffff  }
0x101: {  	v30 =	vld.idx.msk [tilespmem:v30+s4+$0x0], $0xffff  }
0x102: {  	v31 =	vld.idx.msk [tilespmem:v31+s4+$0x0], $0xffff  }
0x103: {  	v28 =	vld.idx.msk [tilespmem:v28+s4+$0x0], $0xffff  }
0x104: {  	v27 =	vld.idx.msk [tilespmem:v27+s4+$0x0], $0xffff  }
0x105: {  	v29 =	vld.idx.msk [tilespmem:v29+s4+$0x0], $0xffff;
	_ =	sdelay $0x1  }
0x106: {  	v34 =	vand.u32 $0x7FFFFFFF, v10  }
0x107: {  	v30 =	vand.u32 $0x7FFFFFFF, v30;
	v33 =	vand.u32 $0x7FFFFFFF, v58;
	v32 =	vand.u32 $0x7FFFFFFF, v32  }
0x108: {  	v27 =	vand.u32 $0x7FFFFFFF, v27;
	v28 =	vand.u32 $0x7FFFFFFF, v28;
	v31 =	vand.u32 $0x7FFFFFFF, v31  }
0x109: {  	v10 =	vshrl.u32 v34, $0x17;
	v29 =	vand.u32 $0x7FFFFFFF, v29;
	v59 =	vshrl.u32 v32, $0x17  }
0x10a: {  	v60 =	vshrl.u32 v31, $0x17;
	v61 =	vshrl.u32 v30, $0x17;
	v62 =	vshrl.u32 v33, $0x17  }
0x10b: {  	vm8 =	veq.s32 v10, v7;
	v63 =	vshrl.u32 v28, $0x17;
	v10 =	vshrl.u32 v29, $0x17  }
0x10c: {  	v44 =	vsel vm8, $0x1, v1;
	vm9 =	veq.s32 v10, v7;
	v10 =	vshrl.u32 v27, $0x17  }
0x10d: {  	v40 =	vadd.s32 v44, v9;
	v45 =	vsel vm9, $0x1, v1;
	vm10 =	veq.s32 v10, v7  }
0x10e: {  	vm11 =	veq.s32 v63, v7;
	v41 =	vadd.s32 v45, v40;
	v10 =	vsel vm10, $0x1, v1  }
0x10f: {  	vm12 =	veq.s32 v60, v7;
	v46 =	vadd.s32 v10, v41;
	v10 =	vsel vm11, $0x1, v1  }
0x110: {  	vm13 =	veq.s32 v61, v7;
	v47 =	vadd.s32 v10, v46;
	v10 =	vsel vm12, $0x1, v1  }
0x111: {  	vm14 =	veq.s32 v62, v7;
	v48 =	vadd.s32 v10, v47;
	v10 =	vsel vm13, $0x1, v1  }
0x112: {  	vm15 =	veq.s32 v59, v7;
	v49 =	vadd.s32 v10, v48;
	v10 =	vsel vm14, $0x1, v1  }
0x113: {  	v50 =	vadd.s32 v10, v49;
	v10 =	vsel vm15, $0x1, v1  }
0x114: {  	v10 =	vadd.s32 v10, v50  }
0x115: {  	v42 =	vxor.u32 $0x80000000, v10  }
0x116: {  	(xrf0) =	vmax.scan.msk.u32 $0xffff, v42;
	_ =	sdelay $0x5  }
0x117: {  	v42, _, _ =	vpop (xrf0)  }
0x118: {  	(v2sf) =	vpush v42, $0xF;
	_ =	sdelay $0x2  }
0x119: {  	v26 =	vadd.s32 @p0 v5, v26  }
0x11a: {  	v25 =	vadd.s32 @p0 v5, v25  }
0x11b: {  	v24 =	vadd.s32 @p0 v5, v24  }
0x11c: {  	v23 =	vadd.s32 @p0 v5, v23;
	v12 =	vand.u32 @p0 $0x7FFFFF, v12  }
0x11d: {  	v22 =	vadd.s32 @p0 v5, v22;
	v17 =	vand.u32 @p0 $0x7FFFFF, v17;
	[tilespmem:v11+s9+$0x0] =	vst.idx.msk @p0 vm0, v12  }
0x11e: {  	v15 =	vand.u32 @p0 $0x7FFFFF, v15;
	[tilespmem:v26+s9+$0x0] =	vst.idx.msk @p0 vm7, v17;
	v17 =	vadd.s32 @p0 v5, v21  }
0x11f: {  	v13 =	vand.u32 @p0 $0x7FFFFF, v13;
	[tilespmem:v25+s9+$0x0] =	vst.idx.msk @p0 vm6, v15;
	v15 =	vadd.s32 @p0 v5, v20  }
0x120: {  	[tilespmem:v24+s9+$0x0] =	vst.idx.msk @p0 vm5, v13;
	v13 =	vand.u32 @p0 $0x7FFFFF, v19;
	v9 =	vadd.s32 v5, v9  }
0x121: {  	[tilespmem:v23+s9+$0x0] =	vst.idx.msk @p0 vm4, v13;
	v13 =	vand.u32 @p0 $0x7FFFFF, v16;
	v56 =	vadd.s32 v5, v41  }
0x122: {  	[tilespmem:v22+s9+$0x0] =	vst.idx.msk @p0 vm3, v13;
	v13 =	vand.u32 @p0 $0x7FFFFF, v14;
	v11 =	vadd.s32 v5, v46  }
0x123: {  	[tilespmem:v17+s9+$0x0] =	vst.idx.msk @p0 vm2, v13;
	v13 =	vand.u32 @p0 $0x7FFFFF, v18;
	v54 =	vadd.s32 v5, v47  }
0x124: {  	[tilespmem:v15+s9+$0x0] =	vst.idx.msk @p0 vm1, v13;
	v63 =	vand.u32 $0x7FFFFF, v34;
	v58 =	vadd.s32 v5, v40  }
0x125: {  	v62 =	vand.u32 $0x7FFFFF, v27;
	[tilespmem:v9+s9+$0x0] =	vst.idx.msk vm8, v63;
	v53 =	vadd.s32 v5, v48;
	s15 =	spop (v2sf)  }
0x126: {  	v61 =	vand.u32 $0x7FFFFF, v28;
	v52 =	vadd.s32 v5, v49;
	[tilespmem:v56+s9+$0x0] =	vst.idx.msk vm10, v62;
	s15 =	sxor.u32 $0x80000000, s15  }
0x127: {  	v60 =	vand.u32 $0x7FFFFF, v31;
	v51 =	vadd.s32 v5, v50;
	[tilespmem:v11+s9+$0x0] =	vst.idx.msk vm11, v61;
	p0 =	sgt.s32 s15, $0x0  }
.Ltmp13:
0x128: {  	v11 =	vand.u32 $0x7FFFFF, v29;
	[tilespmem:v54+s9+$0x0] =	vst.idx.msk vm12, v60;
	(pc) =	sbr.rel @!p0 .LBB2_18-.Ltmp13, $4  }
0x129: {  	v59 =	vand.u32 $0x7FFFFF, v30;
	[tilespmem:v58+s9+$0x0] =	vst.idx.msk vm9, v11  }
0x12a: {  	v57 =	vand.u32 $0x7FFFFF, v33;
	[tilespmem:v53+s9+$0x0] =	vst.idx.msk vm13, v59  }
0x12b: {  	v55 =	vand.u32 $0x7FFFFF, v32;
	[tilespmem:v52+s9+$0x0] =	vst.idx.msk vm14, v57  }
0x12c: {  	[tilespmem:v51+s9+$0x0] =	vst.idx.msk vm15, v55  }
0x12d: {  	p3 =	seq.s32 s15, $0x1  }
.Ltmp14:
0x12e: {  	_ = 	snop;
	(pc) =	sbr.rel @p3 .LBB2_35-.Ltmp14, $3  }
0x12f: {  	_ =	sdelay $0x1  }
0x130: {  	s17 =	simm.s32 $0x0;
	s18 =	simm.s32 $0x1  }
0x131: {  	p0 =	por $0x0, $0x0;
	p1 =	por $0x0, $0x0;
	p2 =	por $0x0, $0x0  }
0x132: {  	v9 =	vadd.s32 s17, v5;
	p3 =	seq.s32 s15, $0x2  }
.Ltmp15:
0x133: {  	_ = 	snop;
	(pc) =	sbr.rel @p3 .LBB2_37-.Ltmp15, $2  }
0x134: {  	_ =	sdelay $0x2  }
0x135: {  	s19 =	simm.s32 $0x2;
	p0 =	por $0x1, $0x1;
	v12 =	vld.idx.msk [tilespmem:v9+s9+$0x0], $0xffff  }
0x136: {  	v9 =	vadd.s32 s18, v5;
	p3 =	seq.s32 s15, $0x3  }
.Ltmp16:
0x137: {  	_ = 	snop;
	(pc) =	sbr.rel @p3 .LBB2_39-.Ltmp16, $2  }
0x138: {  	_ =	sdelay $0x2  }
0x139: {  	s16 =	simm.s32 $0x3;
	p1 =	por $0x1, $0x1;
	v11 =	vshrl.u32 v12, $0x13;
	v15 =	vld.idx.msk [tilespmem:v9+s9+$0x0], $0xffff  }
0x13a: {  	v12 =	vadd.s32 s19, v5;
	p3 =	seq.s32 s15, $0x4  }
.Ltmp17:
0x13b: {  	v9 =	vmov s17;
	v13 =	vand.u32 $0xF, v11;
	(pc) =	sbr.rel @p3 .LBB2_41-.Ltmp17, $2  }
0x13c: {  	vm0 =	vlt.s32 v9, v10;
	v9 =	vadd.s32 v6, v13;
	_ =	sdelay $0x2  }
0x13d: {  	s20 =	simm.s32 $0x4;
	p2 =	por $0x1, $0x1;
	v13 =	vsel vm0, $0x1, v1;
	v14 =	vshrl.u32 v15, $0x13;
	v12 =	vld.idx.msk [tilespmem:v12+s9+$0x0], $0xffff  }
.LBB2_42:
0x13e: {  	s21 =	smov.u32 s20;
	s20 =	sadd.s32 $0x1, s20  }
0x13f: {  	v15 =	vadd.s32 s16, v5;
	v14 =	vand.u32 $0xF, v14;
	[tilespmem:v9+s8+$0x0] =	vst.idx.add.s32.msk $0xffff, v13;
	p3 =	seq.s32 s15, s20  }
.Ltmp18:
0x140: {  	v9 =	vadd.s32 v6, v14;
	(pc) =	sbr.rel @!p3 .LBB2_42-.Ltmp18, $4  }
0x141: {  	_ = 	snop  }
0x142: {  	v13 =	vmov s18;
	s18 =	smov.u32 s19;
	s19 =	smov.u32 s16;
	s16 =	smov.u32 s21  }
0x143: {  	vm0 =	vlt.s32 v13, v10  }
0x144: {  	v13 =	vsel vm0, $0x1, v1;
	v14 =	vshrl.u32 v12, $0x13;
	v12 =	vld.idx.msk [tilespmem:v15+s9+$0x0], $0xffff  }
0x145: {  	s20 =	smov.u32 s18;
	s18 =	smov.u32 s19  }
.LBB2_44:
0x146: {  	v15 =	vadd.s32 s16, v5;
	_ =	sdelay $0x4  }
0x147: {  	v15 =	vld.idx.msk [tilespmem:v15+s9+$0x0], $0xffff;
	_ =	sdelay $0x1  }
0x148: {  	v12 =	vshrl.u32 @p0 v12, $0x13  }
0x149: {  	v14 =	vand.u32 @p1 $0xF, v14;
	v11 =	vpsel p0, v12, v11  }
0x14a: {  	v12 =	vadd.s32 @p1 v6, v14;
	v11 =	vand.u32 @p0 $0xF, v11  }
0x14b: {  	v12 =	vpsel p1, v12, v0;
	v11 =	vadd.s32 @p0 v6, v11;
	v62 =	vshrl.u32 v15, $0x13  }
0x14c: {  	s17 =	smov.u32 @p0 s18;
	v11 =	vpsel p0, v11, v0;
	v15 =	vmov @p1 s20;
	v14 =	vand.u32 $0xF, v62  }
0x14d: {  	vm0 =	vlt.s32 @p1 v15, v10;
	v15 =	vmov @p0 s17;
	v14 =	vadd.s32 v6, v14  }
0x14e: {  	v16 =	vsel @p1 vm0, $0x1, v1;
	vm0 =	vlt.s32 @p0 v15, v10  }
0x14f: {  	[tilespmem:v9+s8+$0x0] =	vst.idx.add.s32.msk @p2 $0xffff, v13;
	v63 =	vmov s16;
	v9 =	vpsel p1, v16, v0;
	v13 =	vsel @p0 vm0, $0x1, v1  }
0x150: {  	vm15 =	vlt.s32 v63, v10;
	[tilespmem:v12+s8+$0x0] =	vst.idx.add.s32.msk @p1 $0xffff, v9;
	v9 =	vpsel p0, v13, v0  }
0x151: {  	[tilespmem:v11+s8+$0x0] =	vst.idx.add.s32.msk @p0 $0xffff, v9;
	v9 =	vsel vm15, $0x1, v1  }
0x152: {  	[tilespmem:v14+s8+$0x0] =	vst.idx.add.s32.msk $0xffff, v9  }
.LBB2_18:
0x153: {  	s18 =	simm.s32 $0xF  }
0x154: {  	v12 =	vadd.s32 s18, v6;
	_ =	sdelay $0x3  }
0x155: {  	s17 =	simm.s32 $0xE  }
0x156: {  	v11 =	vimm.s32 $0x0;
	v15 =	vadd.s32 s17, v6;
	v13 =	vld.idx.msk [tilespmem:v12+s8+$0x0], $0xffff  }
0x157: {  	v9 =	vimm.s32 $0x1;
	vm0 =	vgt.s32 v8, v11  }
0x158: {  	s16 =	simm.s32 $0xD;
	s19 =	simm.s32 $0xC;
	v14 =	vimm.s32 $0x0;
	vm0 =	vmmov vm0;
	[tilespmem:v12+s8+$0x0] =	vst.idx.msk $0xffff, v1;
	v12 =	vsub.s32 v8, v11  }
.LBB2_19:
0x159: {  	p0 =	seq.s32 s19, $0x0;
	s20 =	smov.u32 s19;
	s19 =	sadd.s32 $0xFFFFFFFF, s19  }
.Ltmp19:
0x15a: {  	(pc) =	sbr.rel @!p0 .LBB2_19-.Ltmp19, $4  }
0x15b: {  	v11 =	vadd.s32 v11, v13;
	[tilespmem:v15+s8+$0x0] =	vst.idx.msk $0xffff, v1;
	v13 =	vld.idx.msk [tilespmem:v15+s8+$0x0], $0xffff  }
0x15c: {  	v15 =	vadd.s32 s16, v6;
	vm1 =	vgt.s32 v8, v11;
	vm2 =	vge.s32 v11, v8  }
0x15d: {  	v16 =	vsub.s32 v8, v11;
	vm2 =	vmand vm0, vm2;
	vm0 =	vmmov vm1  }
0x15e: {  	v14 =	vsel vm2, s18, v14;
	v9 =	vsel vm2, v12, v9;
	v12 =	vmov v16;
	s18 =	smov.u32 s17;
	s17 =	smov.u32 s16;
	s16 =	smov.u32 s20  }
0x15f: {  	_ = 	snop  }
0x160: {  	v16 =	vadd.s32 s16, v6;
	_ =	sdelay $0x2  }
0x161: {  	v17 =	vld.idx.msk [tilespmem:v15+s8+$0x0], $0xffff  }
0x162: {  	[tilespmem:v15+s8+$0x0] =	vst.idx.msk $0xffff, v1  }
0x163: {  	v11 =	vadd.s32 v11, v13;
	v15 =	vld.idx.msk [tilespmem:v16+s8+$0x0], $0xffff  }
0x164: {  	vm2 =	vge.s32 v11, v8  }
0x165: {  	vm1 =	vgt.s32 v8, v11;
	vm0 =	vmand vm0, vm2  }
0x166: {  	p0 =	slt.s32 s15, $0x1;
	vm1 =	vmmov vm1;
	v14 =	vsel vm0, s18, v14;
	v13 =	vadd.s32 v11, v17  }
.Ltmp20:
0x167: {  	v9 =	vsel vm0, v12, v9;
	v11 =	vsub.s32 v8, v11;
	vm13 =	vgt.s32 v8, v13;
	(pc) =	sbr.rel @p0 .LBB2_21-.Ltmp20, $4  }
0x168: {  	vm14 =	vge.s32 v13, v8;
	v63 =	vsub.s32 v8, v13;
	v13 =	vadd.s32 v13, v15  }
0x169: {  	vm1 =	vmand vm1, vm14;
	vm0 =	vmmov vm13;
	vm15 =	vge.s32 v13, v8  }
0x16a: {  	v9 =	vsel vm1, v11, v9;
	v8 =	vsel vm1, s17, v14;
	vm0 =	vmand vm0, vm15  }
0x16b: {  	[tilespmem:v16+s8+$0x0] =	vst.idx.msk $0xffff, v1;
	v8 =	vsel vm0, s16, v8;
	v9 =	vsel vm0, v63, v9  }
0x16c: {  	p3 =	seq.s32 s15, $0x1  }
.Ltmp21:
0x16d: {  	_ = 	snop;
	(pc) =	sbr.rel @p3 .LBB2_46-.Ltmp21, $3  }
0x16e: {  	_ =	sdelay $0x1  }
0x16f: {  	s18 =	simm.s32 $0x0;
	s19 =	simm.s32 $0x1  }
0x170: {  	v11 =	vimm.s32 $0x0;
	p0 =	por $0x0, $0x0;
	p1 =	por $0x0, $0x0;
	p2 =	por $0x0, $0x0;
	v14 =	vadd.s32 s18, v5  }
0x171: {  	p3 =	seq.s32 s15, $0x2  }
.Ltmp22:
0x172: {  	_ = 	snop;
	(pc) =	sbr.rel @p3 .LBB2_48-.Ltmp22, $2  }
0x173: {  	_ =	sdelay $0x2  }
0x174: {  	v12 =	vld.idx.msk [tilespmem:v14+s9+$0x0], $0xffff;
	s16 =	simm.s32 $0x2;
	v14 =	vadd.s32 s19, v5;
	p0 =	por $0x1, $0x1  }
0x175: {  	_ =	sdelay $0x1  }
0x176: {  	p3 =	seq.s32 s15, $0x3  }
.Ltmp23:
0x177: {  	_ = 	snop;
	(pc) =	sbr.rel @p3 .LBB2_50-.Ltmp23, $4  }
0x178: {  	v13 =	vld.idx.msk [tilespmem:v14+s9+$0x0], $0xffff  }
0x179: {  	v15 =	vshrl.u32 v12, $0x13  }
0x17a: {  	v16 =	vmov s18;
	v15 =	vand.u32 $0xF, v15  }
0x17b: {  	s17 =	simm.s32 $0x3;
	v14 =	vadd.s32 s16, v5;
	p1 =	por $0x1, $0x1;
	vm1 =	vlt.s32 v16, v10;
	vm2 =	veq.s32 v15, v8  }
0x17c: {  	vm0 =	vmand vm1, vm2;
	p3 =	seq.s32 s15, $0x4  }
.Ltmp24:
0x17d: {  	v16 =	vsel vm0, $0x1, v1;
	(pc) =	sbr.rel @p3 .LBB2_52-.Ltmp24, $4  }
0x17e: {  	v15 =	vadd.s32 v5, v11;
	v17 =	vadd.s32 v16, v11;
	v16 =	vmov s19  }
0x17f: {  	v18 =	vshrl.u32 v13, $0x13  }
0x180: {  	v18 =	vand.u32 $0xF, v18  }
0x181: {  	v19 =	vld.idx.msk [tilespmem:v14+s9+$0x0], $0xffff;
	s18 =	simm.s32 $0x4;
	v14 =	vadd.s32 s17, v5;
	p2 =	por $0x1, $0x1;
	vm4 =	veq.s32 v18, v8;
	vm3 =	vlt.s32 v16, v10;
	v16 =	vmovc v12  }
.LBB2_53:
0x182: {  	s19 =	smov.u32 s18;
	s18 =	sadd.s32 $0x1, s18  }
0x183: {  	[tilespmem:v15+s10+$0x0] =	vst.idx.msk vm0, v16;
	vm0 =	vmand vm3, vm4;
	v16 =	vmov v13;
	p3 =	seq.s32 s15, s18  }
.Ltmp25:
0x184: {  	v15 =	vadd.s32 v5, v17;
	v20 =	vsel vm0, $0x1, v1;
	(pc) =	sbr.rel @!p3 .LBB2_53-.Ltmp25, $4  }
0x185: {  	v17 =	vadd.s32 v20, v17  }
0x186: {  	v18 =	vshrl.u32 v19, $0x13;
	v13 =	vmov v19;
	v19 =	vld.idx.msk [tilespmem:v14+s9+$0x0], $0xffff  }
0x187: {  	v20 =	vmov s16;
	s16 =	smov.u32 s17;
	s17 =	smov.u32 s19;
	v14 =	vadd.s32 s19, v5;
	v18 =	vand.u32 $0xF, v18  }
0x188: {  	vm3 =	vlt.s32 v20, v10;
	vm4 =	veq.s32 v18, v8  }
0x189: {  	_ =	sdelay $0x1  }
0x18a: {  	v18 =	vmov v13;
	s18 =	smov.u32 s16;
	s16 =	smov.u32 s17;
	v13 =	vmov v19  }
.LBB2_55:
0x18b: {  	_ =	sdelay $0x3  }
0x18c: {  	v14 =	vld.idx.msk [tilespmem:v14+s9+$0x0], $0xffff  }
0x18d: {  	v19 =	vshrl.u32 @p0 v13, $0x13;
	v20 =	vmov @p0 s18;
	vm3 =	vmand @p1 vm3, vm4  }
0x18e: {  	v62 =	vmov s16;
	v19 =	vand.u32 @p0 $0xF, v19;
	vm4 =	vlt.s32 @p0 v20, v10  }
0x18f: {  	vm14 =	vlt.s32 v62, v10;
	v10 =	vadd.s32 @p1 v5, v17;
	vm5 =	veq.s32 @p0 v19, v8  }
0x190: {  	vm1 =	vmmov @p0 vm4;
	v19 =	vsel @p1 vm3, $0x1, v1;
	vm3 =	vmmov @p1 vm3  }
0x191: {  	v10 =	vpsel p1, v10, v0;
	vm2 =	vmmov @p0 vm5;
	v63 =	vshrl.u32 v14, $0x13  }
0x192: {  	v17 =	vadd.s32 @p1 v19, v17;
	vm1 =	vmand @p0 vm1, vm2;
	v19 =	vand.u32 $0xF, v63  }
0x193: {  	v17 =	vpsel p1, v17, v11;
	vm15 =	veq.s32 v19, v8;
	v19 =	vsel @p0 vm1, $0x1, v1  }
0x194: {  	vm1 =	vmmov @p0 vm1;
	v19 =	vadd.s32 @p0 v19, v17;
	v17 =	vadd.s32 @p0 v5, v17  }
0x195: {  	vm2 =	vmand vm14, vm15;
	v11 =	vpsel p0, v19, v11;
	v17 =	vpsel p0, v17, v0  }
0x196: {  	v19 =	vadd.s32 v5, v11  }
.Ltmp26:
0x197: {  	_ = 	snop;
	(pc) =	sbr.rel .LBB2_22-.Ltmp26, $4  }
0x198: {  	v12 =	vpsel p0, v13, v12;
	[tilespmem:v15+s10+$0x0] =	vst.idx.msk @p2 vm0, v16;
	v13 =	vpsel p1, v18, v0  }
0x199: {  	[tilespmem:v10+s10+$0x0] =	vst.idx.msk @p1 vm3, v13;
	v10 =	vpsel p0, v12, v0  }
0x19a: {  	[tilespmem:v17+s10+$0x0] =	vst.idx.msk @p0 vm1, v10;
	v10 =	vsel vm2, $0x1, v1  }
0x19b: {  	v10 =	vadd.s32 v10, v11;
	[tilespmem:v19+s10+$0x0] =	vst.idx.msk vm2, v14  }
.LBB2_21:
0x19c: {  	v10 =	vimm.s32 $0x0  }
.LBB2_22:
0x19d: {  	v11 =	vxor.u32 $0x80000000, v10  }
0x19e: {  	(xrf0) =	vmax.scan.msk.u32 $0xffff, v11;
	_ =	sdelay $0x5  }
0x19f: {  	v11, _, _ =	vpop (xrf0)  }
0x1a0: {  	(v2sf) =	vpush v11, $0xF;
	_ =	sdelay $0xe  }
0x1a1: {  	s15 =	spop (v2sf)  }
0x1a2: {  	s15 =	sxor.u32 $0x80000000, s15  }
0x1a3: {  	p0 =	sgt.s32 s15, $0x0  }
.Ltmp27:
0x1a4: {  	_ = 	snop;
	(pc) =	sbr.rel @!p0 .LBB2_23-.Ltmp27, $1  }
0x1a5: {  	_ =	sdelay $0x3  }
0x1a6: {  	p3 =	seq.s32 s15, $0x1  }
.Ltmp28:
0x1a7: {  	_ = 	snop;
	(pc) =	sbr.rel @p3 .LBB2_57-.Ltmp28, $3  }
0x1a8: {  	_ =	sdelay $0x1  }
0x1a9: {  	s17 =	simm.s32 $0x0;
	s18 =	simm.s32 $0x1  }
0x1aa: {  	p0 =	por $0x0, $0x0;
	p1 =	por $0x0, $0x0;
	p2 =	por $0x0, $0x0  }
0x1ab: {  	v11 =	vadd.s32 s17, v5;
	p3 =	seq.s32 s15, $0x2  }
.Ltmp29:
0x1ac: {  	_ = 	snop;
	(pc) =	sbr.rel @p3 .LBB2_59-.Ltmp29, $2  }
0x1ad: {  	_ =	sdelay $0x2  }
0x1ae: {  	s19 =	simm.s32 $0x2;
	p0 =	por $0x1, $0x1;
	v13 =	vld.idx.msk [tilespmem:v11+s10+$0x0], $0xffff  }
0x1af: {  	v11 =	vadd.s32 s18, v5;
	p3 =	seq.s32 s15, $0x3  }
.Ltmp30:
0x1b0: {  	_ = 	snop;
	(pc) =	sbr.rel @p3 .LBB2_61-.Ltmp30, $2  }
0x1b1: {  	_ =	sdelay $0x2  }
0x1b2: {  	s16 =	simm.s32 $0x3;
	p1 =	por $0x1, $0x1;
	v12 =	vshrl.u32 v13, $0xF;
	v16 =	vld.idx.msk [tilespmem:v11+s10+$0x0], $0xffff  }
0x1b3: {  	v13 =	vadd.s32 s19, v5;
	p3 =	seq.s32 s15, $0x4  }
.Ltmp31:
0x1b4: {  	v11 =	vmov s17;
	v14 =	vand.u32 $0xF, v12;
	(pc) =	sbr.rel @p3 .LBB2_63-.Ltmp31, $2  }
0x1b5: {  	vm0 =	vlt.s32 v11, v10;
	v11 =	vadd.s32 v6, v14;
	_ =	sdelay $0x2  }
0x1b6: {  	s20 =	simm.s32 $0x4;
	p2 =	por $0x1, $0x1;
	v14 =	vsel vm0, $0x1, v1;
	v15 =	vshrl.u32 v16, $0xF;
	v13 =	vld.idx.msk [tilespmem:v13+s10+$0x0], $0xffff  }
.LBB2_64:
0x1b7: {  	s21 =	smov.u32 s20;
	s20 =	sadd.s32 $0x1, s20  }
0x1b8: {  	v16 =	vadd.s32 s16, v5;
	v15 =	vand.u32 $0xF, v15;
	[tilespmem:v11+s8+$0x0] =	vst.idx.add.s32.msk $0xffff, v14;
	p3 =	seq.s32 s15, s20  }
.Ltmp32:
0x1b9: {  	v11 =	vadd.s32 v6, v15;
	(pc) =	sbr.rel @!p3 .LBB2_64-.Ltmp32, $4  }
0x1ba: {  	_ = 	snop  }
0x1bb: {  	v14 =	vmov s18;
	s18 =	smov.u32 s19;
	s19 =	smov.u32 s16;
	s16 =	smov.u32 s21  }
0x1bc: {  	vm0 =	vlt.s32 v14, v10  }
0x1bd: {  	v14 =	vsel vm0, $0x1, v1;
	v15 =	vshrl.u32 v13, $0xF;
	v13 =	vld.idx.msk [tilespmem:v16+s10+$0x0], $0xffff  }
0x1be: {  	s20 =	smov.u32 s18;
	s18 =	smov.u32 s19  }
.LBB2_66:
0x1bf: {  	v16 =	vadd.s32 s16, v5;
	_ =	sdelay $0x4  }
0x1c0: {  	v16 =	vld.idx.msk [tilespmem:v16+s10+$0x0], $0xffff;
	_ =	sdelay $0x1  }
0x1c1: {  	v13 =	vshrl.u32 @p0 v13, $0xF  }
0x1c2: {  	v15 =	vand.u32 @p1 $0xF, v15;
	v12 =	vpsel p0, v13, v12  }
0x1c3: {  	v13 =	vadd.s32 @p1 v6, v15;
	v12 =	vand.u32 @p0 $0xF, v12  }
0x1c4: {  	v13 =	vpsel p1, v13, v0;
	v12 =	vadd.s32 @p0 v6, v12;
	v62 =	vshrl.u32 v16, $0xF  }
0x1c5: {  	s17 =	smov.u32 @p0 s18;
	v12 =	vpsel p0, v12, v0;
	v16 =	vmov @p1 s20;
	v15 =	vand.u32 $0xF, v62  }
0x1c6: {  	vm0 =	vlt.s32 @p1 v16, v10;
	v16 =	vmov @p0 s17;
	v15 =	vadd.s32 v6, v15  }
0x1c7: {  	v17 =	vsel @p1 vm0, $0x1, v1;
	vm0 =	vlt.s32 @p0 v16, v10  }
0x1c8: {  	[tilespmem:v11+s8+$0x0] =	vst.idx.add.s32.msk @p2 $0xffff, v14;
	v63 =	vmov s16;
	v11 =	vpsel p1, v17, v0;
	v14 =	vsel @p0 vm0, $0x1, v1  }
0x1c9: {  	vm15 =	vlt.s32 v63, v10;
	[tilespmem:v13+s8+$0x0] =	vst.idx.add.s32.msk @p1 $0xffff, v11;
	v11 =	vpsel p0, v14, v0  }
0x1ca: {  	[tilespmem:v12+s8+$0x0] =	vst.idx.add.s32.msk @p0 $0xffff, v11;
	v11 =	vsel vm15, $0x1, v1  }
0x1cb: {  	[tilespmem:v15+s8+$0x0] =	vst.idx.add.s32.msk $0xffff, v11  }
.LBB2_23:
0x1cc: {  	s18 =	simm.s32 $0xF  }
0x1cd: {  	v13 =	vadd.s32 s18, v6;
	_ =	sdelay $0x3  }
0x1ce: {  	s17 =	simm.s32 $0xE  }
0x1cf: {  	v12 =	vimm.s32 $0x0;
	v16 =	vadd.s32 s17, v6;
	v14 =	vld.idx.msk [tilespmem:v13+s8+$0x0], $0xffff  }
0x1d0: {  	v11 =	vimm.s32 $0x1;
	vm0 =	vgt.s32 v9, v12  }
0x1d1: {  	s16 =	simm.s32 $0xD;
	s19 =	simm.s32 $0xC;
	v15 =	vimm.s32 $0x0;
	vm0 =	vmmov vm0;
	[tilespmem:v13+s8+$0x0] =	vst.idx.msk $0xffff, v1;
	v13 =	vsub.s32 v9, v12  }
.LBB2_24:
0x1d2: {  	p0 =	seq.s32 s19, $0x0;
	s20 =	smov.u32 s19;
	s19 =	sadd.s32 $0xFFFFFFFF, s19  }
.Ltmp33:
0x1d3: {  	(pc) =	sbr.rel @!p0 .LBB2_24-.Ltmp33, $4  }
0x1d4: {  	v12 =	vadd.s32 v12, v14;
	[tilespmem:v16+s8+$0x0] =	vst.idx.msk $0xffff, v1;
	v14 =	vld.idx.msk [tilespmem:v16+s8+$0x0], $0xffff  }
0x1d5: {  	v16 =	vadd.s32 s16, v6;
	vm1 =	vgt.s32 v9, v12;
	vm2 =	vge.s32 v12, v9  }
0x1d6: {  	v17 =	vsub.s32 v9, v12;
	vm2 =	vmand vm0, vm2;
	vm0 =	vmmov vm1  }
0x1d7: {  	v15 =	vsel vm2, s18, v15;
	v11 =	vsel vm2, v13, v11;
	v13 =	vmov v17;
	s18 =	smov.u32 s17;
	s17 =	smov.u32 s16;
	s16 =	smov.u32 s20  }
0x1d8: {  	_ = 	snop  }
0x1d9: {  	v17 =	vadd.s32 s16, v6;
	_ =	sdelay $0x2  }
0x1da: {  	v18 =	vld.idx.msk [tilespmem:v16+s8+$0x0], $0xffff  }
0x1db: {  	[tilespmem:v16+s8+$0x0] =	vst.idx.msk $0xffff, v1  }
0x1dc: {  	v12 =	vadd.s32 v12, v14;
	v16 =	vld.idx.msk [tilespmem:v17+s8+$0x0], $0xffff  }
0x1dd: {  	vm2 =	vge.s32 v12, v9  }
0x1de: {  	vm1 =	vgt.s32 v9, v12;
	vm0 =	vmand vm0, vm2  }
0x1df: {  	p0 =	slt.s32 s15, $0x1;
	vm1 =	vmmov vm1;
	v15 =	vsel vm0, s18, v15;
	v14 =	vadd.s32 v12, v18  }
.Ltmp34:
0x1e0: {  	v11 =	vsel vm0, v13, v11;
	v12 =	vsub.s32 v9, v12;
	vm13 =	vgt.s32 v9, v14;
	(pc) =	sbr.rel @p0 .LBB2_26-.Ltmp34, $4  }
0x1e1: {  	vm14 =	vge.s32 v14, v9;
	v63 =	vsub.s32 v9, v14;
	v14 =	vadd.s32 v14, v16  }
0x1e2: {  	vm1 =	vmand vm1, vm14;
	vm0 =	vmmov vm13;
	vm15 =	vge.s32 v14, v9  }
0x1e3: {  	v12 =	vsel vm1, v12, v11;
	v9 =	vsel vm1, s17, v15;
	vm0 =	vmand vm0, vm15  }
0x1e4: {  	[tilespmem:v17+s8+$0x0] =	vst.idx.msk $0xffff, v1;
	v11 =	vsel vm0, s16, v9;
	v9 =	vsel vm0, v63, v12  }
0x1e5: {  	p3 =	seq.s32 s15, $0x1  }
.Ltmp35:
0x1e6: {  	_ = 	snop;
	(pc) =	sbr.rel @p3 .LBB2_68-.Ltmp35, $3  }
0x1e7: {  	_ =	sdelay $0x1  }
0x1e8: {  	s18 =	simm.s32 $0x0;
	s19 =	simm.s32 $0x1  }
0x1e9: {  	v12 =	vimm.s32 $0x0;
	p0 =	por $0x0, $0x0;
	p1 =	por $0x0, $0x0;
	p2 =	por $0x0, $0x0;
	v15 =	vadd.s32 s18, v5  }
0x1ea: {  	p3 =	seq.s32 s15, $0x2  }
.Ltmp36:
0x1eb: {  	_ = 	snop;
	(pc) =	sbr.rel @p3 .LBB2_70-.Ltmp36, $2  }
0x1ec: {  	_ =	sdelay $0x2  }
0x1ed: {  	v13 =	vld.idx.msk [tilespmem:v15+s10+$0x0], $0xffff;
	s16 =	simm.s32 $0x2;
	v15 =	vadd.s32 s19, v5;
	p0 =	por $0x1, $0x1  }
0x1ee: {  	_ =	sdelay $0x1  }
0x1ef: {  	p3 =	seq.s32 s15, $0x3  }
.Ltmp37:
0x1f0: {  	_ = 	snop;
	(pc) =	sbr.rel @p3 .LBB2_72-.Ltmp37, $4  }
0x1f1: {  	v14 =	vld.idx.msk [tilespmem:v15+s10+$0x0], $0xffff  }
0x1f2: {  	v16 =	vshrl.u32 v13, $0xF  }
0x1f3: {  	v17 =	vmov s18;
	v16 =	vand.u32 $0xF, v16  }
0x1f4: {  	s17 =	simm.s32 $0x3;
	v15 =	vadd.s32 s16, v5;
	p1 =	por $0x1, $0x1;
	vm1 =	vlt.s32 v17, v10;
	vm2 =	veq.s32 v16, v11  }
0x1f5: {  	vm0 =	vmand vm1, vm2;
	p3 =	seq.s32 s15, $0x4  }
.Ltmp38:
0x1f6: {  	v17 =	vsel vm0, $0x1, v1;
	(pc) =	sbr.rel @p3 .LBB2_74-.Ltmp38, $4  }
0x1f7: {  	v16 =	vadd.s32 v5, v12;
	v18 =	vadd.s32 v17, v12;
	v17 =	vmov s19  }
0x1f8: {  	v19 =	vshrl.u32 v14, $0xF  }
0x1f9: {  	v19 =	vand.u32 $0xF, v19  }
0x1fa: {  	v20 =	vld.idx.msk [tilespmem:v15+s10+$0x0], $0xffff;
	s18 =	simm.s32 $0x4;
	v15 =	vadd.s32 s17, v5;
	p2 =	por $0x1, $0x1;
	vm4 =	veq.s32 v19, v11;
	vm3 =	vlt.s32 v17, v10;
	v17 =	vmovc v13  }
.LBB2_75:
0x1fb: {  	s19 =	smov.u32 s18;
	s18 =	sadd.s32 $0x1, s18  }
0x1fc: {  	[tilespmem:v16+s9+$0x0] =	vst.idx.msk vm0, v17;
	vm0 =	vmand vm3, vm4;
	v17 =	vmov v14;
	p3 =	seq.s32 s15, s18  }
.Ltmp39:
0x1fd: {  	v16 =	vadd.s32 v5, v18;
	v21 =	vsel vm0, $0x1, v1;
	(pc) =	sbr.rel @!p3 .LBB2_75-.Ltmp39, $4  }
0x1fe: {  	v18 =	vadd.s32 v21, v18  }
0x1ff: {  	v19 =	vshrl.u32 v20, $0xF;
	v14 =	vmov v20;
	v20 =	vld.idx.msk [tilespmem:v15+s10+$0x0], $0xffff  }
0x200: {  	v21 =	vmov s16;
	s16 =	smov.u32 s17;
	s17 =	smov.u32 s19;
	v15 =	vadd.s32 s19, v5;
	v19 =	vand.u32 $0xF, v19  }
0x201: {  	vm3 =	vlt.s32 v21, v10;
	vm4 =	veq.s32 v19, v11  }
0x202: {  	_ =	sdelay $0x1  }
0x203: {  	v19 =	vmov v14;
	s18 =	smov.u32 s16;
	s16 =	smov.u32 s17;
	v14 =	vmov v20  }
.LBB2_77:
0x204: {  	_ =	sdelay $0x3  }
0x205: {  	v15 =	vld.idx.msk [tilespmem:v15+s10+$0x0], $0xffff  }
0x206: {  	v20 =	vshrl.u32 @p0 v14, $0xF;
	v21 =	vmov @p0 s18;
	vm3 =	vmand @p1 vm3, vm4  }
0x207: {  	v61 =	vmov s16;
	v20 =	vand.u32 @p0 $0xF, v20;
	vm4 =	vlt.s32 @p0 v21, v10  }
0x208: {  	vm14 =	vlt.s32 v61, v10;
	v10 =	vadd.s32 @p1 v5, v18;
	vm5 =	veq.s32 @p0 v20, v11  }
0x209: {  	vm1 =	vmmov @p0 vm4;
	v20 =	vsel @p1 vm3, $0x1, v1;
	vm3 =	vmmov @p1 vm3  }
0x20a: {  	v10 =	vpsel p1, v10, v0;
	vm2 =	vmmov @p0 vm5;
	v62 =	vshrl.u32 v15, $0xF  }
0x20b: {  	v18 =	vadd.s32 @p1 v20, v18;
	vm1 =	vmand @p0 vm1, vm2;
	v20 =	vand.u32 $0xF, v62  }
0x20c: {  	v18 =	vpsel p1, v18, v12;
	vm15 =	veq.s32 v20, v11;
	v20 =	vsel @p0 vm1, $0x1, v1  }
0x20d: {  	vm1 =	vmmov @p0 vm1;
	v20 =	vadd.s32 @p0 v20, v18;
	v18 =	vadd.s32 @p0 v5, v18  }
0x20e: {  	vm2 =	vmand vm14, vm15;
	v63 =	vpsel p0, v20, v12;
	v18 =	vpsel p0, v18, v0  }
0x20f: {  	v20 =	vadd.s32 v5, v63  }
.Ltmp40:
0x210: {  	_ = 	snop;
	(pc) =	sbr.rel .LBB2_27-.Ltmp40, $4  }
0x211: {  	v13 =	vpsel p0, v14, v13;
	[tilespmem:v16+s9+$0x0] =	vst.idx.msk @p2 vm0, v17;
	v14 =	vpsel p1, v19, v0  }
0x212: {  	[tilespmem:v10+s9+$0x0] =	vst.idx.msk @p1 vm3, v14;
	v10 =	vpsel p0, v13, v0  }
0x213: {  	[tilespmem:v18+s9+$0x0] =	vst.idx.msk @p0 vm1, v10;
	v10 =	vsel vm2, $0x1, v1  }
0x214: {  	v10 =	vadd.s32 v10, v63;
	[tilespmem:v20+s9+$0x0] =	vst.idx.msk vm2, v15  }
.LBB2_26:
0x215: {  	v10 =	vimm.s32 $0x0  }
.LBB2_27:
0x216: {  	v12 =	vxor.u32 $0x80000000, v10  }
0x217: {  	(xrf0) =	vmax.scan.msk.u32 $0xffff, v12;
	_ =	sdelay $0x5  }
0x218: {  	v12, _, _ =	vpop (xrf0)  }
0x219: {  	(v2sf) =	vpush v12, $0xF;
	_ =	sdelay $0xc  }
.Ltmp41:
0x21a: {  	_ = 	snop;
	(pc) =	sbr.rel .LBB2_28-.Ltmp41, $4  }
0x21b: {  	_ = 	snop  }
0x21c: {  	v8 =	vshll.u32 v8, $0x13;
	v11 =	vshll.u32 v11, $0xF;
	s15 =	spop (v2sf)  }
0x21d: {  	v8 =	vadd.s32 v8, v11;
	s15 =	sxor.u32 $0x80000000, s15  }
0x21e: {  	s16 =	simm.s32 $0x0;
	v11 =	vadd.s32 $0x8000, v8;
	p0 =	slt.s32 s15, $0x1  }
.LBB2_29:
0x21f: {  	v13 =	vimm.s32 $0x0  }
.LBB2_30:
0x220: {  	s16 =	sadd.s32 $0x1, s16  }
0x221: {  	p1 =	seq.s32 s16, $0xF  }
.Ltmp42:
0x222: {  	_ = 	snop;
	(pc) =	sbr.rel @p1 .LBB2_31-.Ltmp42, $3  }
0x223: {  	_ =	sdelay $0x1  }
0x224: {  	vm0 =	vlt.s32 v13, v9  }
0x225: {  	v8 =	vsel vm0, v8, v12;
	v11 =	vsel vm0, v12, v11  }
.LBB2_28:
.Ltmp43:
0x226: {  	(pc) =	sbr.rel @p0 .LBB2_29-.Ltmp43, $4  }
0x227: {  	_ = 	snop  }
0x228: {  	v12 =	vsub.s32 v11, v8  }
0x229: {  	v12 =	vshra.s32 v12, $0x1  }
0x22a: {  	v12 =	vadd.s32 v8, v12  }
0x22b: {  	p3 =	seq.s32 s15, $0x1  }
.Ltmp44:
0x22c: {  	_ = 	snop;
	(pc) =	sbr.rel @p3 .LBB2_79-.Ltmp44, $3  }
0x22d: {  	_ =	sdelay $0x1  }
0x22e: {  	s19 =	simm.s32 $0x0  }
0x22f: {  	v13 =	vimm.s32 $0x0;
	s17 =	simm.s32 $0x1;
	p1 =	por $0x0, $0x0;
	p2 =	por $0x0, $0x0;
	v14 =	vadd.s32 s19, v5  }
0x230: {  	p3 =	seq.s32 s15, $0x2  }
.Ltmp45:
0x231: {  	_ = 	snop;
	(pc) =	sbr.rel @p3 .LBB2_81-.Ltmp45, $2  }
0x232: {  	_ =	sdelay $0x2  }
0x233: {  	v16 =	vld.idx.msk [tilespmem:v14+s9+$0x0], $0xffff;
	s18 =	simm.s32 $0x2;
	v14 =	vadd.s32 s17, v5;
	p1 =	por $0x1, $0x1  }
0x234: {  	_ = 	snop  }
0x235: {  	p3 =	seq.s32 s15, $0x3  }
.Ltmp46:
0x236: {  	_ = 	snop;
	(pc) =	sbr.rel @p3 .LBB2_83-.Ltmp46, $4  }
0x237: {  	v15 =	vmov s19  }
0x238: {  	vm0 =	vlt.s32 v15, v10;
	vm1 =	vge.s32 v16, v12  }
0x239: {  	vm0 =	vmand vm0, vm1  }
0x23a: {  	s19 =	simm.s32 $0x3;
	p2 =	por $0x1, $0x1;
	v15 =	vimm.s32 $0x0;
	v16 =	vld.idx.msk [tilespmem:v14+s9+$0x0], $0xffff;
	v14 =	vadd.s32 s18, v5;
	v17 =	vsel vm0, $0x1, v1  }
.LBB2_84:
0x23b: {  	s20 =	smov.u32 s19;
	s19 =	sadd.s32 $0x1, s19  }
0x23c: {  	v15 =	vadd.s32 v17, v15;
	p3 =	seq.s32 s15, s19  }
.Ltmp47:
0x23d: {  	(pc) =	sbr.rel @!p3 .LBB2_84-.Ltmp47, $4  }
0x23e: {  	v17 =	vmov s17;
	s17 =	smov.u32 s18;
	s18 =	smov.u32 s20  }
0x23f: {  	vm0 =	vlt.s32 v17, v10;
	vm1 =	vge.s32 v16, v12;
	v16 =	vld.idx.msk [tilespmem:v14+s9+$0x0], $0xffff  }
0x240: {  	v14 =	vadd.s32 s18, v5;
	vm0 =	vmand vm0, vm1  }
0x241: {  	v17 =	vsel vm0, $0x1, v1  }
0x242: {  	s19 =	smov.u32 s17;
	s17 =	smov.u32 s18  }
.LBB2_86:
0x243: {  	_ =	sdelay $0x3  }
0x244: {  	v14 =	vld.idx.msk [tilespmem:v14+s9+$0x0], $0xffff  }
0x245: {  	v18 =	vmov @p1 s19  }
0x246: {  	vm0 =	vlt.s32 @p1 v18, v10;
	vm1 =	vge.s32 @p1 v16, v12  }
0x247: {  	v15 =	vadd.s32 @p2 v17, v15;
	vm0 =	vmand @p1 vm0, vm1  }
.Ltmp48:
0x248: {  	v63 =	vmov s17;
	v15 =	vpsel p2, v15, v13;
	v16 =	vsel @p1 vm0, $0x1, v1;
	(pc) =	sbr.rel .LBB2_30-.Ltmp48, $4  }
0x249: {  	vm14 =	vlt.s32 v63, v10;
	v16 =	vpsel p1, v16, v0;
	vm15 =	vge.s32 v14, v12  }
0x24a: {  	v14 =	vadd.s32 @p1 v16, v15;
	vm0 =	vmand vm14, vm15  }
0x24b: {  	v13 =	vpsel p1, v14, v13;
	v15 =	vsel vm0, $0x1, v1  }
0x24c: {  	v13 =	vadd.s32 v15, v13  }
.LBB2_79:
.Ltmp49:
0x24d: {  	(pc) =	sbr.rel .LBB2_86-.Ltmp49, $2  }
0x24e: {  	_ =	sdelay $0x2  }
0x24f: {  	v15 =	vimm.s32 $0x0;
	s17 =	simm.s32 $0x0  }
.LBB2_81:
.Ltmp50:
0x250: {  	(pc) =	sbr.rel .LBB2_86-.Ltmp50, $2  }
0x251: {  	_ =	sdelay $0x2  }
0x252: {  	v15 =	vimm.s32 $0x0  }
.LBB2_83:
.Ltmp51:
0x253: {  	(pc) =	sbr.rel .LBB2_86-.Ltmp51, $2  }
0x254: {  	_ =	sdelay $0x2  }
0x255: {  	v15 =	vimm.s32 $0x0;
	s19 =	simm.s32 $0x1;
	s17 =	simm.s32 $0x2  }
.LBB2_8:
.Ltmp52:
0x256: {  	(pc) =	sbr.rel .LBB2_13-.Ltmp52, $2  }
0x257: {  	_ =	sdelay $0x2  }
0x258: {  	v17 =	vimm.s32 $0x0;
	v14 =	vimm.s32 $0x0;
	p1 =	por $0x0, $0x0  }
.LBB2_14:
.Ltmp53:
0x259: {  	(pc) =	sbr.rel .LBB2_17-.Ltmp53, $2  }
0x25a: {  	_ =	sdelay $0x2  }
0x25b: {  	_ = 	snop  }
.LBB2_10:
.Ltmp54:
0x25c: {  	(pc) =	sbr.rel .LBB2_13-.Ltmp54, $4  }
0x25d: {  	_ = 	snop  }
0x25e: {  	s23 =	simm.s32 $0xFE  }
0x25f: {  	s24 =	simm.s32 $0xFD;
	s15 =	simm.s32 $0xFA;
	s25 =	simm.s32 $0xFC  }
0x260: {  	s17 =	simm.s32 $0xF9;
	s16 =	simm.s32 $0xF8;
	s22 =	simm.s32 $0xFB;
	v14 =	vmov v17  }
.LBB2_35:
.Ltmp55:
0x261: {  	(pc) =	sbr.rel .LBB2_44-.Ltmp55, $2  }
0x262: {  	_ =	sdelay $0x2  }
0x263: {  	s16 =	simm.s32 $0x0  }
.LBB2_46:
.Ltmp56:
0x264: {  	(pc) =	sbr.rel .LBB2_55-.Ltmp56, $2  }
0x265: {  	_ =	sdelay $0x2  }
0x266: {  	v17 =	vimm.s32 $0x0;
	s16 =	simm.s32 $0x0  }
.LBB2_57:
.Ltmp57:
0x267: {  	(pc) =	sbr.rel .LBB2_66-.Ltmp57, $2  }
0x268: {  	_ =	sdelay $0x2  }
0x269: {  	s16 =	simm.s32 $0x0  }
.LBB2_68:
.Ltmp58:
0x26a: {  	(pc) =	sbr.rel .LBB2_77-.Ltmp58, $2  }
0x26b: {  	_ =	sdelay $0x2  }
0x26c: {  	v18 =	vimm.s32 $0x0;
	s16 =	simm.s32 $0x0  }
.LBB2_37:
.Ltmp59:
0x26d: {  	(pc) =	sbr.rel .LBB2_44-.Ltmp59, $2  }
0x26e: {  	_ =	sdelay $0x2  }
0x26f: {  	s16 =	simm.s32 $0x1;
	s18 =	simm.s32 $0x0  }
.LBB2_48:
.Ltmp60:
0x270: {  	_ = 	snop;
	(pc) =	sbr.rel .LBB2_55-.Ltmp60, $2  }
0x271: {  	_ =	sdelay $0x2  }
0x272: {  	v17 =	vimm.s32 $0x0;
	s16 =	simm.s32 $0x1;
	v13 =	vmov v12  }
.LBB2_59:
.Ltmp61:
0x273: {  	(pc) =	sbr.rel .LBB2_66-.Ltmp61, $2  }
0x274: {  	_ =	sdelay $0x2  }
0x275: {  	s16 =	simm.s32 $0x1;
	s18 =	simm.s32 $0x0  }
.LBB2_70:
.Ltmp62:
0x276: {  	_ = 	snop;
	(pc) =	sbr.rel .LBB2_77-.Ltmp62, $2  }
0x277: {  	_ =	sdelay $0x2  }
0x278: {  	v18 =	vimm.s32 $0x0;
	s16 =	simm.s32 $0x1;
	v14 =	vmov v13  }
.LBB2_39:
.Ltmp63:
0x279: {  	_ = 	snop;
	(pc) =	sbr.rel .LBB2_44-.Ltmp63, $2  }
0x27a: {  	_ =	sdelay $0x2  }
0x27b: {  	s16 =	simm.s32 $0x2;
	v14 =	vmov v11;
	s20 =	simm.s32 $0x0;
	v12 =	vmov v15  }
.LBB2_50:
.Ltmp64:
0x27c: {  	(pc) =	sbr.rel .LBB2_55-.Ltmp64, $2  }
0x27d: {  	_ =	sdelay $0x2  }
0x27e: {  	vm3 =	vmmov vm1;
	vm4 =	vmmov vm2;
	v18 =	vmovc v12;
	v17 =	vimm.s32 $0x0;
	s18 =	simm.s32 $0x1  }
.LBB2_61:
.Ltmp65:
0x27f: {  	_ = 	snop;
	(pc) =	sbr.rel .LBB2_66-.Ltmp65, $2  }
0x280: {  	_ =	sdelay $0x2  }
0x281: {  	s16 =	simm.s32 $0x2;
	v15 =	vmov v12;
	s20 =	simm.s32 $0x0;
	v13 =	vmov v16  }
.LBB2_72:
.Ltmp66:
0x282: {  	(pc) =	sbr.rel .LBB2_77-.Ltmp66, $2  }
0x283: {  	_ =	sdelay $0x2  }
0x284: {  	vm3 =	vmmov vm1;
	vm4 =	vmmov vm2;
	v19 =	vmovc v13;
	v18 =	vimm.s32 $0x0;
	s18 =	simm.s32 $0x1  }
.LBB2_41:
.Ltmp67:
0x285: {  	(pc) =	sbr.rel .LBB2_44-.Ltmp67, $2  }
0x286: {  	_ =	sdelay $0x2  }
0x287: {  	s20 =	simm.s32 $0x1;
	s18 =	simm.s32 $0x2  }
.LBB2_52:
.Ltmp68:
0x288: {  	_ = 	snop;
	(pc) =	sbr.rel .LBB2_55-.Ltmp68, $2  }
0x289: {  	_ =	sdelay $0x2  }
0x28a: {  	v18 =	vmov v13;
	v16 =	vmov v12;
	s18 =	simm.s32 $0x2;
	s16 =	simm.s32 $0x3;
	v13 =	vmov v19  }
.LBB2_63:
.Ltmp69:
0x28b: {  	(pc) =	sbr.rel .LBB2_66-.Ltmp69, $2  }
0x28c: {  	_ =	sdelay $0x2  }
0x28d: {  	s20 =	simm.s32 $0x1;
	s18 =	simm.s32 $0x2  }
.LBB2_74:
.Ltmp70:
0x28e: {  	_ = 	snop;
	(pc) =	sbr.rel .LBB2_77-.Ltmp70, $2  }
0x28f: {  	_ =	sdelay $0x2  }
0x290: {  	v19 =	vmov v14;
	v17 =	vmov v13;
	s18 =	simm.s32 $0x2;
	s16 =	simm.s32 $0x3;
	v14 =	vmov v20  }
.LBB2_33:
0x291: {  	_ =	sfence.sel $0x180000  }
0x292: {  	[bflag:$0x0] =	sbarrier.arrive $0xFFFF  }
0x293: {  	p0 =	sne.s32 s0, $0x0;
	_ =	strace $0x90000047  }
0x294: {  	s0 =	sadd.s32 @!p0 $0x100000, s2;
	[bflag:$0x2] =	sbarrier.arrive $0xFFFF  }
0x295: {  	[sflag:s0] =	ssyncadd.tile.s32 @!p0 $0x1;
	_ =	shalt  }
.Lfunc_end2:
_tile_overlayer_lowered:
.L_overlay_start_2:
0x296: {  	(tag) =	ssettag $0x2  }
0x297: {  	s0 =	rddreg [dreg:$0x0];
	s2 =	stileid.u32  }
0x298: {  	s1 =	rddreg [dreg:$0x1];
	p0 =	sne.s32 s2, $0x0  }
0x299: {  	s3 =	rddreg [dreg:$0x2];
	[bflag:$0x3] =	sbarrier.arrive $0xFFFF;
	s2 =	simm.s32 @!p0 $0x1C01  }
0x29a: {  	[timem:s3], [sflag:s2] =	dma.local @!p0 [hbm:s0], s1  }
0x29b: {  	s0 =	simm.s32 @!p0 $0x1  }
0x29c: {  	_ =	swait.ge @!p0 [sflag:s0], s1  }
0x29d: {  	s1 =	ssub.s32 @!p0 $0x0, s1;
	[sflag:s0] =	ssyncset.done @!p0 $0x0  }
0x29e: {  	[sflag:s0] =	ssyncadd.s32 @!p0 s1  }
0x29f: {  	[bflag:$0x3] =	sbarrier.arrive $0xFFFF  }
0x2a0: {  	_ =	shalt  }

</sc_bundles>
